<compile_context>
chip_gen: v7x
topology: tpu7x:2x2x1
jax: 0.10.2.dev20260603
libtpu: 0.0.44.dev20260713+nightly
codegen_flags: <defaults>
</compile_context>

<pallas_src>
import functools

import jax
import jax.numpy as jnp
from jax import lax
from jax.experimental import pallas as pl
from jax.experimental.pallas import tpu as pltpu
from jax.experimental.pallas import tpu_sc as plsc

K = 16
L = 2048
B = 8
RT = 512
NEG_INF = float("-inf")
POS_INF = float("inf")
HIGHEST = jax.lax.Precision.HIGHEST


def _dist_tile(qx, qy, ct_ref, n, self_col):
    kx = ct_ref[0, 0:1, :]
    ky = ct_ref[0, 1:2, :]
    dx = qx - kx
    dy = qy - ky
    d2 = dx * dx + dy * dy
    col = jax.lax.broadcasted_iota(jnp.int32, d2.shape, 1)
    d2 = jnp.where(col == self_col, d2 + 1e10, d2)
    return jnp.where(col < n, d2, POS_INF), col


def _knn_stats_body(len_ref, q_ref, ct_ref, dsum_ref, mx_ref, mn_ref):
    b = pl.program_id(0)
    j = pl.program_id(1)
    n = len_ref[b]
    q = q_ref[0]
    row = j * RT + jax.lax.broadcasted_iota(jnp.int32, (RT, L), 0)
    v, _ = _dist_tile(q[:, 0:1], q[:, 1:2], ct_ref, n, row)

    m = jnp.min(v, axis=1, keepdims=True)
    s0 = jnp.sqrt(m)
    acc = s0
    last = s0
    for _ in range(1, K):
        m = jnp.min(jnp.where(v > m, v, POS_INF), axis=1, keepdims=True)
        last = jnp.sqrt(m)
        acc = acc + last
    dsum_ref[0, 0, :] = acc[:, 0]

    rv = row[:, 0:1] < n
    t_mx = jnp.max(jnp.where(rv, last, NEG_INF))
    t_mn = jnp.min(jnp.where(rv, s0, POS_INF))

    @pl.when((b == 0) & (j == 0))
    def _():
        mx_ref[...] = jnp.full((1, 1), NEG_INF, jnp.float32)
        mn_ref[...] = jnp.full((1, 1), POS_INF, jnp.float32)

    mx_ref[...] = jnp.maximum(mx_ref[...], t_mx)
    mn_ref[...] = jnp.minimum(mn_ref[...], t_mn)


def _run_knn_stats(lengths, coords, coords_t):
    grid_spec = pltpu.PrefetchScalarGridSpec(
        num_scalar_prefetch=1,
        grid=(B, L // RT),
        in_specs=[
            pl.BlockSpec((1, RT, 2), lambda b, j, lens: (b, j, 0)),
            pl.BlockSpec((1, 2, L), lambda b, j, lens: (b, 0, 0)),
        ],
        out_specs=[
            pl.BlockSpec((1, 1, RT), lambda b, j, lens: (b, 0, j)),
            pl.BlockSpec((1, 1), lambda b, j, lens: (0, 0)),
            pl.BlockSpec((1, 1), lambda b, j, lens: (0, 0)),
        ],
    )
    return pl.pallas_call(
        _knn_stats_body,
        grid_spec=grid_spec,
        out_shape=[
            jax.ShapeDtypeStruct((B, 1, L), jnp.float32),
            jax.ShapeDtypeStruct((1, 1), jnp.float32),
            jax.ShapeDtypeStruct((1, 1), jnp.float32),
        ],
    )(lengths, coords, coords_t)


def _topk_with_idx(v, col):
    m = jnp.min(v, axis=1, keepdims=True)
    am = jnp.min(jnp.where(v == m, col, L), axis=1, keepdims=True)
    idxs, ds = [am], [jnp.sqrt(m)]
    for _ in range(1, K):
        m = jnp.min(jnp.where(v > m, v, POS_INF), axis=1, keepdims=True)
        am = jnp.min(jnp.where(v == m, col, L), axis=1, keepdims=True)
        idxs.append(am)
        ds.append(jnp.sqrt(m))
    return jnp.concatenate(idxs, axis=1), jnp.concatenate(ds, axis=1)


def _head_topk_body(len_ref, c_ref, ct_ref, hn_ref, hd_ref, nb_ref, dd_ref):
    n = len_ref[pl.program_id(0)]
    cb = c_ref[0]
    hx = cb[0:1, 0:1]
    hy = cb[0:1, 1:2]
    vh, colH = _dist_tile(hx, hy, ct_ref, n, 0)
    n0, d0 = _topk_with_idx(vh, colH)
    hn_ref[0] = n0
    hd_ref[0] = d0

    rowLK = jax.lax.broadcasted_iota(jnp.int32, (L, K), 0)
    ohT = (rowLK == n0).astype(jnp.float32)
    _gath = functools.partial(
        jax.lax.dot_general,
        dimension_numbers=(((0,), (0,)), ((), ())),
        precision=HIGHEST, preferred_element_type=jnp.float32)
    qc = _gath(ohT, cb)
    liota = jax.lax.broadcasted_iota(jnp.int32, (L, 1), 0).astype(jnp.float32)
    n0col = _gath(ohT, liota).astype(jnp.int32)
    v, colK = _dist_tile(qc[:, 0:1], qc[:, 1:2], ct_ref, n, n0col)
    nb, dd = _topk_with_idx(v, colK)
    nb_ref[0] = nb
    dd_ref[0] = dd


def _run_head_topk(lengths, coords, coords_t):
    grid_spec = pltpu.PrefetchScalarGridSpec(
        num_scalar_prefetch=1,
        grid=(B,),
        in_specs=[
            pl.BlockSpec((1, L, 2), lambda b, lens: (b, 0, 0)),
            pl.BlockSpec((1, 2, L), lambda b, lens: (b, 0, 0)),
        ],
        out_specs=[
            pl.BlockSpec((1, 1, K), lambda b, lens: (b, 0, 0)),
            pl.BlockSpec((1, 1, K), lambda b, lens: (b, 0, 0)),
            pl.BlockSpec((1, K, K), lambda b, lens: (b, 0, 0)),
            pl.BlockSpec((1, K, K), lambda b, lens: (b, 0, 0)),
        ],
    )
    return pl.pallas_call(
        _head_topk_body,
        grid_spec=grid_spec,
        out_shape=[
            jax.ShapeDtypeStruct((B, 1, K), jnp.int32),
            jax.ShapeDtypeStruct((B, 1, K), jnp.float32),
            jax.ShapeDtypeStruct((B, K, K), jnp.int32),
            jax.ShapeDtypeStruct((B, K, K), jnp.float32),
        ],
    )(lengths, coords, coords_t)


def _deg_body(len_ref, dsum_ref, mx_ref, mn_ref, dinv_ref, stats_ref):
    mxv = mx_ref[...]
    mnv = mn_ref[...]
    ir = 1.0 / (mxv - mnv)
    liota = jax.lax.broadcasted_iota(jnp.int32, (1, L), 1)
    for b in range(B):
        n = len_ref[b]
        valid = liota < n
        deg = 1.0 + (K * mxv - dsum_ref[b, 0, :][None, :]) * ir
        dinv_ref[b, 0, :] = jnp.where(valid, jax.lax.rsqrt(deg), 0.0)[0, :]
    srow = jax.lax.broadcasted_iota(jnp.int32, (8, 128), 0)
    stats_ref[...] = jnp.where(srow == 0, mxv, jnp.where(srow == 1, ir, 0.0))


def _run_deg(lengths, dsum, mx, mn):
    grid_spec = pltpu.PrefetchScalarGridSpec(
        num_scalar_prefetch=1,
        grid=(1,),
        in_specs=[
            pl.BlockSpec((B, 1, L), lambda i, lens: (0, 0, 0)),
            pl.BlockSpec((1, 1), lambda i, lens: (0, 0)),
            pl.BlockSpec((1, 1), lambda i, lens: (0, 0)),
        ],
        out_specs=[
            pl.BlockSpec((B, 1, L), lambda i, lens: (0, 0, 0)),
            pl.BlockSpec((8, 128), lambda i, lens: (0, 0)),
        ],
    )
    return pl.pallas_call(
        _deg_body,
        grid_spec=grid_spec,
        out_shape=[
            jax.ShapeDtypeStruct((B, 1, L), jnp.float32),
            jax.ShapeDtypeStruct((8, 128), jnp.float32),
        ],
    )(lengths, dsum, mx, mn)


XD = 256


def _sc_gather(xd, hnf, nbf):
    mesh = plsc.VectorSubcoreMesh(core_axis_name="c", subcore_axis_name="s")

    @functools.partial(
        pl.kernel, mesh=mesh,
        out_type=[
            jax.ShapeDtypeStruct((B, 256, XD), jnp.float32),
            jax.ShapeDtypeStruct((B, 17, XD), jnp.float32),
        ],
        scratch_types=[
            pltpu.VMEM((K,), jnp.int32),
            pltpu.VMEM((4 * K,), jnp.int32),
            pltpu.VMEM((4 * K, XD), jnp.float32),
            pltpu.VMEM((17, XD), jnp.float32),
        ],
    )
    def g(x_hbm, hn_hbm, nb_hbm, xg_out, xn_out, n0_v, nb_v, xr_v, xn_v):
        w = lax.axis_index("s") * 2 + lax.axis_index("c")
        b = w // 4
        q = w % 4
        pltpu.sync_copy(hn_hbm.at[b], n0_v)
        pltpu.sync_copy(nb_hbm.at[b, pl.ds(q * 64, 64)], nb_v)
        for i in range(4):
            nbi = nb_v[pl.ds(i * K, K)]
            pltpu.sync_copy(x_hbm.at[nbi + b * L], xr_v.at[pl.ds(i * K, K)])
        pltpu.sync_copy(xr_v, xg_out.at[b, pl.ds(q * 64, 64)])

        @pl.when(q == 0)
        def _():
            n0vals = n0_v[...]
            pltpu.sync_copy(x_hbm.at[n0vals + b * L], xn_v.at[pl.ds(0, K)])
            pltpu.sync_copy(x_hbm.at[pl.ds(b * L, 1)], xn_v.at[pl.ds(K, 1)])
            pltpu.sync_copy(xn_v, xn_out.at[b])

    return g(xd, hnf, nbf)


def _head_body(xg_ref, xn_ref, stats_ref,
               w1_ref, b1_ref, w2_ref, b2_ref, fcw_ref, out_ref):
    mxv = stats_ref[0:1, 0:1]
    ir = stats_ref[1:2, 0:1]
    XG = xg_ref[0]
    XN17 = xn_ref[0]

    rowR = jax.lax.broadcasted_iota(jnp.int32, (K * K, 17), 0)
    colR = jax.lax.broadcasted_iota(jnp.int32, (K * K, 17), 1)
    Rrep = (rowR // K == colR).astype(jnp.float32)
    Gn0 = jnp.dot(Rrep, XN17[:, 128:144], precision=HIGHEST,
                  preferred_element_type=jnp.float32)

    d2f = ((XG[:, 136:137] - Gn0[:, 8:9]) ** 2
           + (XG[:, 140:141] - Gn0[:, 12:13]) ** 2)
    df = jnp.sqrt(d2f)
    ewf = (mxv - df) * ir
    cf = Gn0[:, 0:1] * ewf * XG[:, 128:129]

    rowS = jax.lax.broadcasted_iota(jnp.int32, (K, K * K), 0)
    colS = jax.lax.broadcasted_iota(jnp.int32, (K, K * K), 1)
    S = (colS // K == rowS).astype(jnp.float32)
    dn0col = XN17[0:16, 128:129]
    dh = XN17[16:17, 128:129]
    d0col = jnp.sqrt((XN17[0:16, 136:137] - XN17[16:17, 136:137]) ** 2
                     + (XN17[0:16, 140:141] - XN17[16:17, 140:141]) ** 2)
    c0T = dh * (mxv - d0col) * ir * dn0col
    _dotg0 = functools.partial(
        jax.lax.dot_general,
        dimension_numbers=(((0,), (0,)), ((), ())),
        precision=HIGHEST, preferred_element_type=jnp.float32)

    XW = jnp.dot(XG[:, 0:128], w1_ref[...],
                 preferred_element_type=jnp.float32)
    XNW = jnp.dot(XN17[:, 0:128], w1_ref[...],
                  preferred_element_type=jnp.float32)
    h1S = jax.nn.relu(
        b1_ref[...] + dn0col * dn0col * XNW[0:16, :]
        + jnp.dot(S, cf * XW, precision=HIGHEST,
                  preferred_element_type=jnp.float32))
    h1H = jax.nn.relu(
        b1_ref[...] + dh * dh * XNW[16:17, :] + _dotg0(c0T, XNW[0:16, :]))
    h1 = jnp.concatenate([h1H, h1S], axis=0)
    HW = jnp.dot(h1, w2_ref[...],
                 preferred_element_type=jnp.float32)
    h2 = jax.nn.relu(
        b2_ref[...] + dh * dh * HW[0:1, :] + _dotg0(c0T, HW[1:, :]))
    out = jax.lax.dot_general(
        h2, fcw_ref[...], dimension_numbers=(((1,), (1,)), ((), ())),
        preferred_element_type=jnp.float32)
    out_ref[...] = out.reshape(1, 1, 1)


def _run_head(xg, xn17, stats, W1, b1, W2, b2, fc_w):
    return pl.pallas_call(
        _head_body,
        grid=(B,),
        in_specs=[
            pl.BlockSpec((1, 256, XD), lambda b: (b, 0, 0)),
            pl.BlockSpec((1, 17, XD), lambda b: (b, 0, 0)),
            pl.BlockSpec((8, 128), lambda b: (0, 0)),
            pl.BlockSpec((128, 256), lambda b: (0, 0)),
            pl.BlockSpec((1, 256), lambda b: (0, 0)),
            pl.BlockSpec((256, 256), lambda b: (0, 0)),
            pl.BlockSpec((1, 256), lambda b: (0, 0)),
            pl.BlockSpec((1, 256), lambda b: (0, 0)),
        ],
        out_specs=pl.BlockSpec((1, 1, 1), lambda b: (b, 0, 0)),
        out_shape=jax.ShapeDtypeStruct((B, 1, 1), jnp.float32),
    )(xg, xn17, stats, W1, b1, W2, b2, fc_w)


def kernel(inputs, coords, targets, input_lengths, W1, b1, W2, b2, fc_w, fc_b):
    lengths = input_lengths.astype(jnp.int32)
    coords_t = coords.transpose(0, 2, 1)
    dsum, mx, mn = _run_knn_stats(lengths, coords, coords_t)
    hn, hd, nb, dd = _run_head_topk(lengths, coords, coords_t)
    dinv, stats = _run_deg(lengths, dsum, mx, mn)
    xd = jnp.concatenate([
        inputs.reshape(B * L, 128),
        jnp.broadcast_to(dinv.reshape(B * L, 1), (B * L, 8)),
        jnp.broadcast_to(coords.reshape(B * L, 2)[:, 0:1], (B * L, 4)),
        jnp.broadcast_to(coords.reshape(B * L, 2)[:, 1:2], (B * L, 4)),
        jnp.zeros((B * L, XD - 144), jnp.float32),
    ], axis=1)
    xg, xn17 = _sc_gather(xd, hn.reshape(B, K), nb.reshape(B, K * K))
    out = _run_head(xg, xn17, stats,
                    W1, b1.reshape(1, -1), W2, b2.reshape(1, -1),
                    fc_w.reshape(1, -1))
    output_head = out[:, :, 0] + fc_b.reshape(1, 1)
    target_head = targets[:, 0, :]
    return output_head, target_head

# --- scband reference (transcript-rebuilt; emitter-appended) ---
"""Pipeline reference for scband-intp-model-13357348290602 (READ-ONLY COPY).

The authoritative reference and input builder live on the scoring server;
editing this copy changes nothing except your own understanding.
"""

import jax, jax.numpy as jnp
import numpy as np


def padded_seq_to_vectors(padded, lengths):
    B, L, D = padded.shape
    mask = (jnp.arange(L)[None, :] < lengths[:, None]).reshape(-1)
    flat = padded.reshape(B * L, D)
    indexer = jnp.repeat(jnp.arange(B), L)
    return flat, indexer, mask


def knn_graph(coords, lengths, k, L):
    B = lengths.shape[0]
    c = coords.reshape(B, L, -1)
    valid = jnp.arange(L)[None, :] < lengths[:, None]
    d2 = jnp.sum((c[:, :, None, :] - c[:, None, :, :]) ** 2, axis=-1)
    d2 = d2 + jnp.eye(L, dtype=c.dtype)[None, :, :] * 1e10
    pair = valid[:, :, None] & valid[:, None, :]
    d2 = jnp.where(pair, d2, jnp.inf)
    _, idx = jax.lax.top_k(-d2, k)
    off = (jnp.arange(B) * L)[:, None, None]
    col = (idx + off).reshape(-1)
    row = (jnp.broadcast_to(jnp.arange(L)[None, :, None], (B, L, k)) + off).reshape(-1)
    emask = jnp.broadcast_to(valid[:, :, None], (B, L, k)).reshape(-1)
    return jnp.stack([col, row]), emask


def make_edge_weight(x, edge_index, emask):
    to, fro = edge_index[0], edge_index[1]
    d = jnp.linalg.norm(x[to] - x[fro], axis=-1)
    mx = jnp.max(jnp.where(emask, d, -jnp.inf))
    mn = jnp.min(jnp.where(emask, d, jnp.inf))
    return jnp.where(emask, (mx - d) / (mx - mn), 0.0)


def gcn_conv(x, edge_index, edge_weight, W, b, node_mask):
    N = x.shape[0]
    loop = jnp.arange(N)
    src = jnp.concatenate([edge_index[0], loop])
    dst = jnp.concatenate([edge_index[1], loop])
    ew = jnp.concatenate([edge_weight, node_mask.astype(x.dtype)])
    deg = jnp.zeros((N,), x.dtype).at[dst].add(ew)
    dinv = jnp.where(deg > 0, deg ** -0.5, 0.0)
    norm = dinv[src] * ew * dinv[dst]
    h = x @ W
    out = jnp.zeros((N, W.shape[1]), x.dtype).at[dst].add(norm[:, None] * h[src])
    return out + b


def setup_inputs(seed: int = 0):
    key = jax.random.key(seed)
    ks = jax.random.split(key, 8)
    B, L, Fin, C, H = 8, 2048, 128, 2, 256
    inputs = jax.random.normal(ks[0], (B, L, Fin), jnp.float32)
    coords = jax.random.uniform(ks[1], (B, L, C), jnp.float32)
    targets = jax.random.normal(ks[2], (B, L, 1), jnp.float32)
    input_lengths = jax.random.randint(ks[3], (B,), 512, L + 1)

    def kaiming(k, shape):
        return jax.random.normal(k, shape, jnp.float32) * np.sqrt(2.0 / shape[0])

    W1 = kaiming(ks[4], (Fin, H))
    b1 = jnp.zeros((H,), jnp.float32)
    W2 = kaiming(ks[5], (H, H))
    b2 = jnp.zeros((H,), jnp.float32)
    fc_w = kaiming(ks[6], (H, 1))
    fc_b = jnp.zeros((1,), jnp.float32)
    return {"inputs": inputs, "coords": coords, "targets": targets,
            "input_lengths": input_lengths, "W1": W1, "b1": b1,
            "W2": W2, "b2": b2, "fc_w": fc_w, "fc_b": fc_b}


def reference(inputs, coords, targets, input_lengths, W1, b1, W2, b2, fc_w, fc_b):
    k = 16
    B, L, _ = inputs.shape
    x_l, indexer, node_mask = padded_seq_to_vectors(inputs, input_lengths)
    y_l, _, _ = padded_seq_to_vectors(targets, input_lengths)
    c_l, _, _ = padded_seq_to_vectors(coords, input_lengths)
    edge_index, emask = knn_graph(c_l, input_lengths, k, L)
    ew = make_edge_weight(c_l, edge_index, emask)
    h1 = jax.nn.relu(gcn_conv(x_l, edge_index, ew, W1, b1, node_mask))
    # dropout is identity in eval mode
    h2 = jax.nn.relu(gcn_conv(h1, edge_index, ew, W2, b2, node_mask))
    output = h2 @ fc_w + fc_b
    heads = jnp.arange(B) * L
    output_head = output[heads]
    target_head = y_l[heads]
    return output_head, target_head

if __name__ == "__main__":
    import jax
    _d = setup_inputs()
    print(jax.jit(kernel)(*tuple(_d.values())))

</pallas_src>

<mosaic_0001>
#map = affine_map<(d0, d1) -> (0, 0)>
#map1 = affine_map<(d0, d1) -> (0, 0, 0)>
module attributes {stable_mosaic.version = 14 : i64} {
  func.func @g(%arg0: i32, %arg1: i32, %arg2: memref<16384x256xf32, #tpu.memory_space<hbm>>, %arg3: memref<8x16xi32, #tpu.memory_space<hbm>>, %arg4: memref<8x256xi32, #tpu.memory_space<hbm>>, %arg5: memref<8x256x256xf32, #tpu.memory_space<hbm>>, %arg6: memref<8x17x256xf32, #tpu.memory_space<hbm>>, %arg7: memref<16xi32, #tpu.memory_space<vmem>>, %arg8: memref<64xi32, #tpu.memory_space<vmem>>, %arg9: memref<64x256xf32, #tpu.memory_space<vmem>>, %arg10: memref<17x256xf32, #tpu.memory_space<vmem>>) attributes {dimension_semantics = [#tpu.dimension_semantics<core_parallel>, #tpu.dimension_semantics<subcore_parallel>], iteration_bounds = array<i64: 2, 16>, scalar_prefetch = 0 : i64, scratch_operands = 4 : i64, tpu.core_type = #tpu.core_type<sc_vector_subcore>, window_params = [{transform_indices = #map}, {transform_indices = #map}, {transform_indices = #map}, {transform_indices = #map1}, {transform_indices = #map1}]} {
    %mul3A = arith.constant 2 : i32
    %mul3A_0 = arith.muli %arg1, %mul3A : i32
    %add3A = arith.addi %mul3A_0, %arg0 : i32
    %jit3A = arith.constant 4 : i32
    %div3A = arith.divsi %add3A, %jit3A : i32
    %sign3A = arith.constant 0 : i32
    %sign3A_1 = arith.cmpi sgt, %add3A, %sign3A : i32
    %sign3A_2 = arith.extui %sign3A_1 : i1 to i32
    %sign3A_3 = arith.constant 0 : i32
    %sign3A_4 = arith.cmpi slt, %add3A, %sign3A_3 : i32
    %sign3A_5 = arith.extui %sign3A_4 : i1 to i32
    %sign3A_6 = arith.subi %sign3A_2, %sign3A_5 : i32
    %sign3A_7 = arith.constant 0 : i32
    %sign3A_8 = arith.cmpi sgt, %jit3A, %sign3A_7 : i32
    %sign3A_9 = arith.extui %sign3A_8 : i1 to i32
    %sign3A_10 = arith.constant 0 : i32
    %sign3A_11 = arith.cmpi slt, %jit3A, %sign3A_10 : i32
    %sign3A_12 = arith.extui %sign3A_11 : i1 to i32
    %sign3A_13 = arith.subi %sign3A_9, %sign3A_12 : i32
    %ne3A = arith.cmpi ne, %sign3A_6, %sign3A_13 : i32
    %rem3A = arith.remsi %add3A, %jit3A : i32
    %ne3A_14 = arith.constant 0 : i32
    %ne3A_15 = arith.cmpi ne, %rem3A, %ne3A_14 : i32
    %and3A = arith.andi %ne3A, %ne3A_15 : i1
    %sub3A = arith.constant 1 : i32
    %sub3A_16 = arith.subi %div3A, %sub3A : i32
    %select_n3A = arith.select %and3A, %sub3A_16, %div3A : i32
    %jit3A_17 = arith.constant 4 : i32
    %eq3A = arith.constant 0 : i32
    %eq3A_18 = arith.cmpi eq, %jit3A_17, %eq3A : i32
    %jit3A_19 = arith.constant 1 : i32
    %select_n3A_20 = arith.select %eq3A_18, %jit3A_19, %jit3A_17 : i32
    %rem3A_21 = arith.remsi %add3A, %select_n3A_20 : i32
    %ne3A_22 = arith.constant 0 : i32
    %ne3A_23 = arith.cmpi ne, %rem3A_21, %ne3A_22 : i32
    %lt3A = arith.constant 0 : i32
    %lt3A_24 = arith.cmpi slt, %rem3A_21, %lt3A : i32
    %lt3A_25 = arith.constant 0 : i32
    %lt3A_26 = arith.cmpi slt, %select_n3A_20, %lt3A_25 : i32
    %ne3A_27 = arith.xori %lt3A_24, %lt3A_26 : i1
    %and3A_28 = arith.andi %ne3A_27, %ne3A_23 : i1
    %add3A_29 = arith.addi %rem3A_21, %select_n3A_20 : i32
    %select_n3A_30 = arith.select %and3A_28, %add3A_29, %rem3A_21 : i32
    "tpu.region"() ({
      %run_scoped3A = tpu.sem_alloc : memref<!tpu.dma_semaphore, #tpu.memory_space<semaphore_mem>>
      %dma_start3A = arith.constant 0 : i32
      %dma_start3A_65 = tpu.memref_slice %arg3[%select_n3A, %dma_start3A] : memref<8x16xi32, #tpu.memory_space<hbm>> -> memref<1x16xi32, #tpu.memory_space<hbm>>
      %dma_start3A_66 = tpu.memref_squeeze %dma_start3A_65 : memref<1x16xi32, #tpu.memory_space<hbm>> -> memref<16xi32, #tpu.memory_space<hbm>>
      %dma_start3A_67 = arith.constant 0 : i32
      %dma_start3A_68 = tpu.memref_slice %arg3[%select_n3A, %dma_start3A_67] : memref<8x16xi32, #tpu.memory_space<hbm>> -> memref<1x16xi32, #tpu.memory_space<hbm>>
      %dma_start3A_69 = tpu.memref_squeeze %dma_start3A_68 : memref<1x16xi32, #tpu.memory_space<hbm>> -> memref<16xi32, #tpu.memory_space<hbm>>
      tpu.enqueue_dma source(%dma_start3A_69 : memref<16xi32, #tpu.memory_space<hbm>>) target(%arg7 : memref<16xi32, #tpu.memory_space<vmem>>) target_semaphore(%run_scoped3A : memref<!tpu.dma_semaphore, #tpu.memory_space<semaphore_mem>>)
      %dma_wait3A = arith.constant 0 : i32
      %dma_wait3A_70 = tpu.memref_slice %arg3[%select_n3A, %dma_wait3A] : memref<8x16xi32, #tpu.memory_space<hbm>> -> memref<1x16xi32, #tpu.memory_space<hbm>>
      %dma_wait3A_71 = tpu.memref_squeeze %dma_wait3A_70 : memref<1x16xi32, #tpu.memory_space<hbm>> -> memref<16xi32, #tpu.memory_space<hbm>>
      %dma_wait3A_72 = arith.constant 0 : i32
      %dma_wait3A_73 = tpu.memref_slice %arg3[%select_n3A, %dma_wait3A_72] : memref<8x16xi32, #tpu.memory_space<hbm>> -> memref<1x16xi32, #tpu.memory_space<hbm>>
      %dma_wait3A_74 = tpu.memref_squeeze %dma_wait3A_73 : memref<1x16xi32, #tpu.memory_space<hbm>> -> memref<16xi32, #tpu.memory_space<hbm>>
      tpu.wait_dma2 semaphore(%run_scoped3A : memref<!tpu.dma_semaphore, #tpu.memory_space<semaphore_mem>>) src(%dma_wait3A_74 : memref<16xi32, #tpu.memory_space<hbm>>) dst(%arg7 : memref<16xi32, #tpu.memory_space<vmem>>)
      tpu.yield
    }) : () -> ()
    %mul3A_31 = arith.constant 64 : i32
    %mul3A_32 = arith.muli %select_n3A_30, %mul3A_31 : i32
    "tpu.region"() ({
      %run_scoped3A = tpu.sem_alloc : memref<!tpu.dma_semaphore, #tpu.memory_space<semaphore_mem>>
      %dma_start3A = tpu.memref_slice %arg4[%select_n3A, %mul3A_32] : memref<8x256xi32, #tpu.memory_space<hbm>> -> memref<1x64xi32, #tpu.memory_space<hbm>>
      %dma_start3A_65 = tpu.memref_squeeze %dma_start3A : memref<1x64xi32, #tpu.memory_space<hbm>> -> memref<64xi32, #tpu.memory_space<hbm>>
      %dma_start3A_66 = tpu.memref_slice %arg4[%select_n3A, %mul3A_32] : memref<8x256xi32, #tpu.memory_space<hbm>> -> memref<1x64xi32, #tpu.memory_space<hbm>>
      %dma_start3A_67 = tpu.memref_squeeze %dma_start3A_66 : memref<1x64xi32, #tpu.memory_space<hbm>> -> memref<64xi32, #tpu.memory_space<hbm>>
      tpu.enqueue_dma source(%dma_start3A_67 : memref<64xi32, #tpu.memory_space<hbm>>) target(%arg8 : memref<64xi32, #tpu.memory_space<vmem>>) target_semaphore(%run_scoped3A : memref<!tpu.dma_semaphore, #tpu.memory_space<semaphore_mem>>)
      %dma_wait3A = tpu.memref_slice %arg4[%select_n3A, %mul3A_32] : memref<8x256xi32, #tpu.memory_space<hbm>> -> memref<1x64xi32, #tpu.memory_space<hbm>>
      %dma_wait3A_68 = tpu.memref_squeeze %dma_wait3A : memref<1x64xi32, #tpu.memory_space<hbm>> -> memref<64xi32, #tpu.memory_space<hbm>>
      %dma_wait3A_69 = tpu.memref_slice %arg4[%select_n3A, %mul3A_32] : memref<8x256xi32, #tpu.memory_space<hbm>> -> memref<1x64xi32, #tpu.memory_space<hbm>>
      %dma_wait3A_70 = tpu.memref_squeeze %dma_wait3A_69 : memref<1x64xi32, #tpu.memory_space<hbm>> -> memref<64xi32, #tpu.memory_space<hbm>>
      tpu.wait_dma2 semaphore(%run_scoped3A : memref<!tpu.dma_semaphore, #tpu.memory_space<semaphore_mem>>) src(%dma_wait3A_70 : memref<64xi32, #tpu.memory_space<hbm>>) dst(%arg8 : memref<64xi32, #tpu.memory_space<vmem>>)
      tpu.yield
    }) : () -> ()
    %get3A = arith.constant 0 : index
    %get3A_33 = tpu.vector_load %arg8[%get3A] {strides = array<i32>} : memref<64xi32, #tpu.memory_space<vmem>>, vector<16xi32>,
    %get3A_34 = vector.shape_cast %get3A_33 : vector<16xi32> to vector<16xi32>
    %mul3A_35 = arith.constant 2048 : i32
    %mul3A_36 = arith.muli %select_n3A, %mul3A_35 : i32
    %add3A_37 = vector.broadcast %mul3A_36 : i32 to vector<16xi32>
    %add3A_38 = arith.addi %get3A_34, %add3A_37 : vector<16xi32>
    "tpu.region"() ({
      %run_scoped3A = tpu.sem_alloc : memref<!tpu.dma_semaphore, #tpu.memory_space<semaphore_mem>>
      %dma_start3A = arith.constant 0 : i32
      %dma_start3A_65 = arith.constant 0 : i32
      %dma_start3A_66 = tpu.memref_slice %arg9[%dma_start3A, %dma_start3A_65] : memref<64x256xf32, #tpu.memory_space<vmem>> -> memref<16x256xf32, #tpu.memory_space<vmem>>
      %dma_start3A_67 = arith.constant 0 : i32
      %dma_start3A_68 = arith.constant 0 : i32
      %dma_start3A_69 = tpu.memref_slice %arg2[%dma_start3A_67, %dma_start3A_68] : memref<16384x256xf32, #tpu.memory_space<hbm>> -> memref<16384x256xf32, #tpu.memory_space<hbm>>
      tpu.enqueue_indirect_dma source(%dma_start3A_69 : memref<16384x256xf32, #tpu.memory_space<hbm>>) target(%dma_start3A_66 : memref<16x256xf32, #tpu.memory_space<vmem>>) offsets(%add3A_38 : vector<16xi32>) semaphore(%run_scoped3A : memref<!tpu.dma_semaphore, #tpu.memory_space<semaphore_mem>>)
      %dma_wait3A = arith.constant 0 : i32
      %dma_wait3A_70 = arith.constant 0 : i32
      %dma_wait3A_71 = tpu.memref_slice %arg9[%dma_wait3A, %dma_wait3A_70] : memref<64x256xf32, #tpu.memory_space<vmem>> -> memref<16x256xf32, #tpu.memory_space<vmem>>
      %dma_wait3A_72 = arith.constant 0 : i32
      %dma_wait3A_73 = arith.constant 0 : i32
      %dma_wait3A_74 = tpu.memref_slice %arg2[%dma_wait3A_72, %dma_wait3A_73] : memref<16384x256xf32, #tpu.memory_space<hbm>> -> memref<16384x256xf32, #tpu.memory_space<hbm>>
      tpu.wait_indirect_dma semaphore(%run_scoped3A : memref<!tpu.dma_semaphore, #tpu.memory_space<semaphore_mem>>) src(%dma_wait3A_74 : memref<16384x256xf32, #tpu.memory_space<hbm>>) dst(%dma_wait3A_71 : memref<16x256xf32, #tpu.memory_space<vmem>>)
      tpu.yield
    }) : () -> ()
    %get3A_39 = arith.constant 16 : index
    %get3A_40 = tpu.vector_load %arg8[%get3A_39] {strides = array<i32>} : memref<64xi32, #tpu.memory_space<vmem>>, vector<16xi32>,
    %get3A_41 = vector.shape_cast %get3A_40 : vector<16xi32> to vector<16xi32>
    %mul3A_42 = arith.constant 2048 : i32
    %mul3A_43 = arith.muli %select_n3A, %mul3A_42 : i32
    %add3A_44 = vector.broadcast %mul3A_43 : i32 to vector<16xi32>
    %add3A_45 = arith.addi %get3A_41, %add3A_44 : vector<16xi32>
    "tpu.region"() ({
      %run_scoped3A = tpu.sem_alloc : memref<!tpu.dma_semaphore, #tpu.memory_space<semaphore_mem>>
      %dma_start3A = arith.constant 16 : i32
      %dma_start3A_65 = arith.constant 0 : i32
      %dma_start3A_66 = tpu.memref_slice %arg9[%dma_start3A, %dma_start3A_65] : memref<64x256xf32, #tpu.memory_space<vmem>> -> memref<16x256xf32, #tpu.memory_space<vmem>>
      %dma_start3A_67 = arith.constant 0 : i32
      %dma_start3A_68 = arith.constant 0 : i32
      %dma_start3A_69 = tpu.memref_slice %arg2[%dma_start3A_67, %dma_start3A_68] : memref<16384x256xf32, #tpu.memory_space<hbm>> -> memref<16384x256xf32, #tpu.memory_space<hbm>>
      tpu.enqueue_indirect_dma source(%dma_start3A_69 : memref<16384x256xf32, #tpu.memory_space<hbm>>) target(%dma_start3A_66 : memref<16x256xf32, #tpu.memory_space<vmem>>) offsets(%add3A_45 : vector<16xi32>) semaphore(%run_scoped3A : memref<!tpu.dma_semaphore, #tpu.memory_space<semaphore_mem>>)
      %dma_wait3A = arith.constant 16 : i32
      %dma_wait3A_70 = arith.constant 0 : i32
      %dma_wait3A_71 = tpu.memref_slice %arg9[%dma_wait3A, %dma_wait3A_70] : memref<64x256xf32, #tpu.memory_space<vmem>> -> memref<16x256xf32, #tpu.memory_space<vmem>>
      %dma_wait3A_72 = arith.constant 0 : i32
      %dma_wait3A_73 = arith.constant 0 : i32
      %dma_wait3A_74 = tpu.memref_slice %arg2[%dma_wait3A_72, %dma_wait3A_73] : memref<16384x256xf32, #tpu.memory_space<hbm>> -> memref<16384x256xf32, #tpu.memory_space<hbm>>
      tpu.wait_indirect_dma semaphore(%run_scoped3A : memref<!tpu.dma_semaphore, #tpu.memory_space<semaphore_mem>>) src(%dma_wait3A_74 : memref<16384x256xf32, #tpu.memory_space<hbm>>) dst(%dma_wait3A_71 : memref<16x256xf32, #tpu.memory_space<vmem>>)
      tpu.yield
    }) : () -> ()
    %get3A_46 = arith.constant 32 : index
    %get3A_47 = tpu.vector_load %arg8[%get3A_46] {strides = array<i32>} : memref<64xi32, #tpu.memory_space<vmem>>, vector<16xi32>,
    %get3A_48 = vector.shape_cast %get3A_47 : vector<16xi32> to vector<16xi32>
    %mul3A_49 = arith.constant 2048 : i32
    %mul3A_50 = arith.muli %select_n3A, %mul3A_49 : i32
    %add3A_51 = vector.broadcast %mul3A_50 : i32 to vector<16xi32>
    %add3A_52 = arith.addi %get3A_48, %add3A_51 : vector<16xi32>
    "tpu.region"() ({
      %run_scoped3A = tpu.sem_alloc : memref<!tpu.dma_semaphore, #tpu.memory_space<semaphore_mem>>
      %dma_start3A = arith.constant 32 : i32
      %dma_start3A_65 = arith.constant 0 : i32
      %dma_start3A_66 = tpu.memref_slice %arg9[%dma_start3A, %dma_start3A_65] : memref<64x256xf32, #tpu.memory_space<vmem>> -> memref<16x256xf32, #tpu.memory_space<vmem>>
      %dma_start3A_67 = arith.constant 0 : i32
      %dma_start3A_68 = arith.constant 0 : i32
      %dma_start3A_69 = tpu.memref_slice %arg2[%dma_start3A_67, %dma_start3A_68] : memref<16384x256xf32, #tpu.memory_space<hbm>> -> memref<16384x256xf32, #tpu.memory_space<hbm>>
      tpu.enqueue_indirect_dma source(%dma_start3A_69 : memref<16384x256xf32, #tpu.memory_space<hbm>>) target(%dma_start3A_66 : memref<16x256xf32, #tpu.memory_space<vmem>>) offsets(%add3A_52 : vector<16xi32>) semaphore(%run_scoped3A : memref<!tpu.dma_semaphore, #tpu.memory_space<semaphore_mem>>)
      %dma_wait3A = arith.constant 32 : i32
      %dma_wait3A_70 = arith.constant 0 : i32
      %dma_wait3A_71 = tpu.memref_slice %arg9[%dma_wait3A, %dma_wait3A_70] : memref<64x256xf32, #tpu.memory_space<vmem>> -> memref<16x256xf32, #tpu.memory_space<vmem>>
      %dma_wait3A_72 = arith.constant 0 : i32
      %dma_wait3A_73 = arith.constant 0 : i32
      %dma_wait3A_74 = tpu.memref_slice %arg2[%dma_wait3A_72, %dma_wait3A_73] : memref<16384x256xf32, #tpu.memory_space<hbm>> -> memref<16384x256xf32, #tpu.memory_space<hbm>>
      tpu.wait_indirect_dma semaphore(%run_scoped3A : memref<!tpu.dma_semaphore, #tpu.memory_space<semaphore_mem>>) src(%dma_wait3A_74 : memref<16384x256xf32, #tpu.memory_space<hbm>>) dst(%dma_wait3A_71 : memref<16x256xf32, #tpu.memory_space<vmem>>)
      tpu.yield
    }) : () -> ()
    %get3A_53 = arith.constant 48 : index
    %get3A_54 = tpu.vector_load %arg8[%get3A_53] {strides = array<i32>} : memref<64xi32, #tpu.memory_space<vmem>>, vector<16xi32>,
    %get3A_55 = vector.shape_cast %get3A_54 : vector<16xi32> to vector<16xi32>
    %mul3A_56 = arith.constant 2048 : i32
    %mul3A_57 = arith.muli %select_n3A, %mul3A_56 : i32
    %add3A_58 = vector.broadcast %mul3A_57 : i32 to vector<16xi32>
    %add3A_59 = arith.addi %get3A_55, %add3A_58 : vector<16xi32>
    "tpu.region"() ({
      %run_scoped3A = tpu.sem_alloc : memref<!tpu.dma_semaphore, #tpu.memory_space<semaphore_mem>>
      %dma_start3A = arith.constant 48 : i32
      %dma_start3A_65 = arith.constant 0 : i32
      %dma_start3A_66 = tpu.memref_slice %arg9[%dma_start3A, %dma_start3A_65] : memref<64x256xf32, #tpu.memory_space<vmem>> -> memref<16x256xf32, #tpu.memory_space<vmem>>
      %dma_start3A_67 = arith.constant 0 : i32
      %dma_start3A_68 = arith.constant 0 : i32
      %dma_start3A_69 = tpu.memref_slice %arg2[%dma_start3A_67, %dma_start3A_68] : memref<16384x256xf32, #tpu.memory_space<hbm>> -> memref<16384x256xf32, #tpu.memory_space<hbm>>
      tpu.enqueue_indirect_dma source(%dma_start3A_69 : memref<16384x256xf32, #tpu.memory_space<hbm>>) target(%dma_start3A_66 : memref<16x256xf32, #tpu.memory_space<vmem>>) offsets(%add3A_59 : vector<16xi32>) semaphore(%run_scoped3A : memref<!tpu.dma_semaphore, #tpu.memory_space<semaphore_mem>>)
      %dma_wait3A = arith.constant 48 : i32
      %dma_wait3A_70 = arith.constant 0 : i32
      %dma_wait3A_71 = tpu.memref_slice %arg9[%dma_wait3A, %dma_wait3A_70] : memref<64x256xf32, #tpu.memory_space<vmem>> -> memref<16x256xf32, #tpu.memory_space<vmem>>
      %dma_wait3A_72 = arith.constant 0 : i32
      %dma_wait3A_73 = arith.constant 0 : i32
      %dma_wait3A_74 = tpu.memref_slice %arg2[%dma_wait3A_72, %dma_wait3A_73] : memref<16384x256xf32, #tpu.memory_space<hbm>> -> memref<16384x256xf32, #tpu.memory_space<hbm>>
      tpu.wait_indirect_dma semaphore(%run_scoped3A : memref<!tpu.dma_semaphore, #tpu.memory_space<semaphore_mem>>) src(%dma_wait3A_74 : memref<16384x256xf32, #tpu.memory_space<hbm>>) dst(%dma_wait3A_71 : memref<16x256xf32, #tpu.memory_space<vmem>>)
      tpu.yield
    }) : () -> ()
    %mul3A_60 = arith.constant 64 : i32
    %mul3A_61 = arith.muli %select_n3A_30, %mul3A_60 : i32
    "tpu.region"() ({
      %run_scoped3A = tpu.sem_alloc : memref<!tpu.dma_semaphore, #tpu.memory_space<semaphore_mem>>
      %dma_start3A = arith.constant 0 : i32
      %dma_start3A_65 = tpu.memref_slice %arg5[%select_n3A, %mul3A_61, %dma_start3A] : memref<8x256x256xf32, #tpu.memory_space<hbm>> -> memref<1x64x256xf32, #tpu.memory_space<hbm>>
      %dma_start3A_66 = tpu.memref_squeeze %dma_start3A_65 : memref<1x64x256xf32, #tpu.memory_space<hbm>> -> memref<64x256xf32, #tpu.memory_space<hbm>>
      %dma_start3A_67 = arith.constant 0 : i32
      %dma_start3A_68 = tpu.memref_slice %arg5[%select_n3A, %mul3A_61, %dma_start3A_67] : memref<8x256x256xf32, #tpu.memory_space<hbm>> -> memref<1x64x256xf32, #tpu.memory_space<hbm>>
      %dma_start3A_69 = tpu.memref_squeeze %dma_start3A_68 : memref<1x64x256xf32, #tpu.memory_space<hbm>> -> memref<64x256xf32, #tpu.memory_space<hbm>>
      tpu.enqueue_dma source(%arg9 : memref<64x256xf32, #tpu.memory_space<vmem>>) target(%dma_start3A_69 : memref<64x256xf32, #tpu.memory_space<hbm>>) target_semaphore(%run_scoped3A : memref<!tpu.dma_semaphore, #tpu.memory_space<semaphore_mem>>)
      %dma_wait3A = arith.constant 0 : i32
      %dma_wait3A_70 = tpu.memref_slice %arg5[%select_n3A, %mul3A_61, %dma_wait3A] : memref<8x256x256xf32, #tpu.memory_space<hbm>> -> memref<1x64x256xf32, #tpu.memory_space<hbm>>
      %dma_wait3A_71 = tpu.memref_squeeze %dma_wait3A_70 : memref<1x64x256xf32, #tpu.memory_space<hbm>> -> memref<64x256xf32, #tpu.memory_space<hbm>>
      %dma_wait3A_72 = arith.constant 0 : i32
      %dma_wait3A_73 = tpu.memref_slice %arg5[%select_n3A, %mul3A_61, %dma_wait3A_72] : memref<8x256x256xf32, #tpu.memory_space<hbm>> -> memref<1x64x256xf32, #tpu.memory_space<hbm>>
      %dma_wait3A_74 = tpu.memref_squeeze %dma_wait3A_73 : memref<1x64x256xf32, #tpu.memory_space<hbm>> -> memref<64x256xf32, #tpu.memory_space<hbm>>
      tpu.wait_dma2 semaphore(%run_scoped3A : memref<!tpu.dma_semaphore, #tpu.memory_space<semaphore_mem>>) src(%arg9 : memref<64x256xf32, #tpu.memory_space<vmem>>) dst(%dma_wait3A_74 : memref<64x256xf32, #tpu.memory_space<hbm>>)
      tpu.yield
    }) : () -> ()
    %eq3A_62 = arith.constant 0 : i32
    %eq3A_63 = arith.cmpi eq, %select_n3A_30, %eq3A_62 : i32
    %convert_element_type3A = arith.extui %eq3A_63 : i1 to i32
    %cond3A = arith.constant 0 : i32
    %cond3A_64 = arith.cmpi ne, %convert_element_type3A, %cond3A : i32
    scf.if %cond3A_64 {
      %get3A_65 = arith.constant 0 : index
      %get3A_66 = tpu.vector_load %arg7[%get3A_65] {strides = array<i32>} : memref<16xi32, #tpu.memory_space<vmem>>, vector<16xi32>,
      %get3A_67 = vector.shape_cast %get3A_66 : vector<16xi32> to vector<16xi32>
      %mul3A_68 = arith.constant 2048 : i32
      %mul3A_69 = arith.muli %select_n3A, %mul3A_68 : i32
      %add3A_70 = vector.broadcast %mul3A_69 : i32 to vector<16xi32>
      %add3A_71 = arith.addi %get3A_67, %add3A_70 : vector<16xi32>
      "tpu.region"() ({
        %run_scoped3A = tpu.sem_alloc : memref<!tpu.dma_semaphore, #tpu.memory_space<semaphore_mem>>
        %dma_start3A = arith.constant 0 : i32
        %dma_start3A_74 = arith.constant 0 : i32
        %dma_start3A_75 = tpu.memref_slice %arg10[%dma_start3A, %dma_start3A_74] : memref<17x256xf32, #tpu.memory_space<vmem>> -> memref<16x256xf32, #tpu.memory_space<vmem>>
        %dma_start3A_76 = arith.constant 0 : i32
        %dma_start3A_77 = arith.constant 0 : i32
        %dma_start3A_78 = tpu.memref_slice %arg2[%dma_start3A_76, %dma_start3A_77] : memref<16384x256xf32, #tpu.memory_space<hbm>> -> memref<16384x256xf32, #tpu.memory_space<hbm>>
        tpu.enqueue_indirect_dma source(%dma_start3A_78 : memref<16384x256xf32, #tpu.memory_space<hbm>>) target(%dma_start3A_75 : memref<16x256xf32, #tpu.memory_space<vmem>>) offsets(%add3A_71 : vector<16xi32>) semaphore(%run_scoped3A : memref<!tpu.dma_semaphore, #tpu.memory_space<semaphore_mem>>)
        %dma_wait3A = arith.constant 0 : i32
        %dma_wait3A_79 = arith.constant 0 : i32
        %dma_wait3A_80 = tpu.memref_slice %arg10[%dma_wait3A, %dma_wait3A_79] : memref<17x256xf32, #tpu.memory_space<vmem>> -> memref<16x256xf32, #tpu.memory_space<vmem>>
        %dma_wait3A_81 = arith.constant 0 : i32
        %dma_wait3A_82 = arith.constant 0 : i32
        %dma_wait3A_83 = tpu.memref_slice %arg2[%dma_wait3A_81, %dma_wait3A_82] : memref<16384x256xf32, #tpu.memory_space<hbm>> -> memref<16384x256xf32, #tpu.memory_space<hbm>>
        tpu.wait_indirect_dma semaphore(%run_scoped3A : memref<!tpu.dma_semaphore, #tpu.memory_space<semaphore_mem>>) src(%dma_wait3A_83 : memref<16384x256xf32, #tpu.memory_space<hbm>>) dst(%dma_wait3A_80 : memref<16x256xf32, #tpu.memory_space<vmem>>)
        tpu.yield
      }) : () -> ()
      %mul3A_72 = arith.constant 2048 : i32
      %mul3A_73 = arith.muli %select_n3A, %mul3A_72 : i32
      "tpu.region"() ({
        %run_scoped3A = tpu.sem_alloc : memref<!tpu.dma_semaphore, #tpu.memory_space<semaphore_mem>>
        %dma_start3A = arith.constant 16 : i32
        %dma_start3A_74 = arith.constant 0 : i32
        %dma_start3A_75 = tpu.memref_slice %arg10[%dma_start3A, %dma_start3A_74] : memref<17x256xf32, #tpu.memory_space<vmem>> -> memref<1x256xf32, #tpu.memory_space<vmem>>
        %dma_start3A_76 = arith.constant 0 : i32
        %dma_start3A_77 = tpu.memref_slice %arg2[%mul3A_73, %dma_start3A_76] : memref<16384x256xf32, #tpu.memory_space<hbm>> -> memref<1x256xf32, #tpu.memory_space<hbm>>
        %dma_start3A_78 = arith.constant 16 : i32
        %dma_start3A_79 = arith.constant 0 : i32
        %dma_start3A_80 = tpu.memref_slice %arg10[%dma_start3A_78, %dma_start3A_79] : memref<17x256xf32, #tpu.memory_space<vmem>> -> memref<1x256xf32, #tpu.memory_space<vmem>>
        %dma_start3A_81 = arith.constant 0 : i32
        %dma_start3A_82 = tpu.memref_slice %arg2[%mul3A_73, %dma_start3A_81] : memref<16384x256xf32, #tpu.memory_space<hbm>> -> memref<1x256xf32, #tpu.memory_space<hbm>>
        tpu.enqueue_dma source(%dma_start3A_82 : memref<1x256xf32, #tpu.memory_space<hbm>>) target(%dma_start3A_80 : memref<1x256xf32, #tpu.memory_space<vmem>>) target_semaphore(%run_scoped3A : memref<!tpu.dma_semaphore, #tpu.memory_space<semaphore_mem>>)
        %dma_wait3A = arith.constant 16 : i32
        %dma_wait3A_83 = arith.constant 0 : i32
        %dma_wait3A_84 = tpu.memref_slice %arg10[%dma_wait3A, %dma_wait3A_83] : memref<17x256xf32, #tpu.memory_space<vmem>> -> memref<1x256xf32, #tpu.memory_space<vmem>>
        %dma_wait3A_85 = arith.constant 0 : i32
        %dma_wait3A_86 = tpu.memref_slice %arg2[%mul3A_73, %dma_wait3A_85] : memref<16384x256xf32, #tpu.memory_space<hbm>> -> memref<1x256xf32, #tpu.memory_space<hbm>>
        %dma_wait3A_87 = arith.constant 16 : i32
        %dma_wait3A_88 = arith.constant 0 : i32
        %dma_wait3A_89 = tpu.memref_slice %arg10[%dma_wait3A_87, %dma_wait3A_88] : memref<17x256xf32, #tpu.memory_space<vmem>> -> memref<1x256xf32, #tpu.memory_space<vmem>>
        %dma_wait3A_90 = arith.constant 0 : i32
        %dma_wait3A_91 = tpu.memref_slice %arg2[%mul3A_73, %dma_wait3A_90] : memref<16384x256xf32, #tpu.memory_space<hbm>> -> memref<1x256xf32, #tpu.memory_space<hbm>>
        tpu.wait_dma2 semaphore(%run_scoped3A : memref<!tpu.dma_semaphore, #tpu.memory_space<semaphore_mem>>) src(%dma_wait3A_91 : memref<1x256xf32, #tpu.memory_space<hbm>>) dst(%dma_wait3A_89 : memref<1x256xf32, #tpu.memory_space<vmem>>)
        tpu.yield
      }) : () -> ()
      "tpu.region"() ({
        %run_scoped3A = tpu.sem_alloc : memref<!tpu.dma_semaphore, #tpu.memory_space<semaphore_mem>>
        %dma_start3A = arith.constant 0 : i32
        %dma_start3A_74 = arith.constant 0 : i32
        %dma_start3A_75 = tpu.memref_slice %arg6[%select_n3A, %dma_start3A, %dma_start3A_74] : memref<8x17x256xf32, #tpu.memory_space<hbm>> -> memref<1x17x256xf32, #tpu.memory_space<hbm>>
        %dma_start3A_76 = tpu.memref_squeeze %dma_start3A_75 : memref<1x17x256xf32, #tpu.memory_space<hbm>> -> memref<17x256xf32, #tpu.memory_space<hbm>>
        %dma_start3A_77 = arith.constant 0 : i32
        %dma_start3A_78 = arith.constant 0 : i32
        %dma_start3A_79 = tpu.memref_slice %arg6[%select_n3A, %dma_start3A_77, %dma_start3A_78] : memref<8x17x256xf32, #tpu.memory_space<hbm>> -> memref<1x17x256xf32, #tpu.memory_space<hbm>>
        %dma_start3A_80 = tpu.memref_squeeze %dma_start3A_79 : memref<1x17x256xf32, #tpu.memory_space<hbm>> -> memref<17x256xf32, #tpu.memory_space<hbm>>
        tpu.enqueue_dma source(%arg10 : memref<17x256xf32, #tpu.memory_space<vmem>>) target(%dma_start3A_80 : memref<17x256xf32, #tpu.memory_space<hbm>>) target_semaphore(%run_scoped3A : memref<!tpu.dma_semaphore, #tpu.memory_space<semaphore_mem>>)
        %dma_wait3A = arith.constant 0 : i32
        %dma_wait3A_81 = arith.constant 0 : i32
        %dma_wait3A_82 = tpu.memref_slice %arg6[%select_n3A, %dma_wait3A, %dma_wait3A_81] : memref<8x17x256xf32, #tpu.memory_space<hbm>> -> memref<1x17x256xf32, #tpu.memory_space<hbm>>
        %dma_wait3A_83 = tpu.memref_squeeze %dma_wait3A_82 : memref<1x17x256xf32, #tpu.memory_space<hbm>> -> memref<17x256xf32, #tpu.memory_space<hbm>>
        %dma_wait3A_84 = arith.constant 0 : i32
        %dma_wait3A_85 = arith.constant 0 : i32
        %dma_wait3A_86 = tpu.memref_slice %arg6[%select_n3A, %dma_wait3A_84, %dma_wait3A_85] : memref<8x17x256xf32, #tpu.memory_space<hbm>> -> memref<1x17x256xf32, #tpu.memory_space<hbm>>
        %dma_wait3A_87 = tpu.memref_squeeze %dma_wait3A_86 : memref<1x17x256xf32, #tpu.memory_space<hbm>> -> memref<17x256xf32, #tpu.memory_space<hbm>>
        tpu.wait_dma2 semaphore(%run_scoped3A : memref<!tpu.dma_semaphore, #tpu.memory_space<semaphore_mem>>) src(%arg10 : memref<17x256xf32, #tpu.memory_space<vmem>>) dst(%dma_wait3A_87 : memref<17x256xf32, #tpu.memory_space<hbm>>)
        tpu.yield
      }) : () -> ()
    } else {
    }
    return
  }
}

module attributes {stable_mosaic.version = 14 : i64} {
  func.func @_knn_stats_body(%arg0: i32, %arg1: i32, %arg2: memref<8xi32, #tpu.memory_space<smem>>, %arg3: memref<1x512x2xf32, #tpu.memory_space<vmem>>, %arg4: memref<1x2x2048xf32, #tpu.memory_space<vmem>>, %arg5: memref<1x1x512xf32, #tpu.memory_space<vmem>>, %arg6: memref<1x1xf32, #tpu.memory_space<vmem>>, %arg7: memref<1x1xf32, #tpu.memory_space<vmem>>) attributes {dimension_semantics = [#tpu.dimension_semantics<arbitrary>, #tpu.dimension_semantics<arbitrary>], iteration_bounds = array<i64: 8, 4>, scalar_prefetch = 1 : i64, scratch_operands = 0 : i64, tpu.core_type = #tpu.core_type<tc>, window_params = [{transform_indices = @transform_0, window_bounds = array<i64: 1, 512, 2>}, {transform_indices = @transform_1, window_bounds = array<i64: 1, 2, 2048>}, {transform_indices = @transform_2, window_bounds = array<i64: 1, 1, 512>}, {pipeline_mode = #tpu.pipeline_mode<synchronous>, transform_indices = @transform_3, window_bounds = array<i64: 1, 1>}, {pipeline_mode = #tpu.pipeline_mode<synchronous>, transform_indices = @transform_4, window_bounds = array<i64: 1, 1>}]} {
    %get3A = arith.index_cast %arg0 : i32 to index
    %get3A_0 = memref.load %arg2[%get3A] : memref<8xi32, #tpu.memory_space<smem>>
    %get3A_1 = arith.constant 0 : index
    %get3A_2 = arith.constant 0 : index
    %get3A_3 = arith.constant 0 : index
    %get3A_4 = vector.load %arg3[%get3A_1, %get3A_2, %get3A_3] : memref<1x512x2xf32, #tpu.memory_space<vmem>>, vector<1x512x2xf32>
    %get3A_5 = vector.shape_cast %get3A_4 : vector<1x512x2xf32> to vector<512x2xf32>
    %mul3A = arith.constant 512 : i32
    %mul3A_6 = arith.muli %arg1, %mul3A : i32
    %iota3A = tpu.iota {dimensions = array<i32: 0>} : vector<512x2048xi32>
    %add3A = vector.broadcast %mul3A_6 : i32 to vector<512x2048xi32>
    %add3A_7 = arith.addi %add3A, %iota3A : vector<512x2048xi32>
    %slice3A = vector.extract_strided_slice %get3A_5 {offsets = [0, 0], sizes = [512, 1], strides = [1, 1]} : vector<512x2xf32> to vector<512x1xf32>
    %slice3A_8 = vector.extract_strided_slice %get3A_5 {offsets = [0, 1], sizes = [512, 1], strides = [1, 1]} : vector<512x2xf32> to vector<512x1xf32>
    %get3A_9 = arith.constant 0 : index
    %get3A_10 = arith.constant 0 : index
    %get3A_11 = arith.constant 0 : index
    %get3A_12 = vector.load %arg4[%get3A_9, %get3A_10, %get3A_11] : memref<1x2x2048xf32, #tpu.memory_space<vmem>>, vector<1x1x2048xf32>
    %get3A_13 = vector.shape_cast %get3A_12 : vector<1x1x2048xf32> to vector<1x2048xf32>
    %get3A_14 = arith.constant 0 : index
    %get3A_15 = arith.constant 1 : index
    %get3A_16 = arith.constant 0 : index
    %get3A_17 = vector.load %arg4[%get3A_14, %get3A_15, %get3A_16] : memref<1x2x2048xf32, #tpu.memory_space<vmem>>, vector<1x1x2048xf32>
    %get3A_18 = vector.shape_cast %get3A_17 : vector<1x1x2048xf32> to vector<1x2048xf32>
    %sub3A = vector.broadcast %slice3A : vector<512x1xf32> to vector<512x2048xf32>
    %sub3A_19 = vector.broadcast %get3A_13 : vector<1x2048xf32> to vector<512x2048xf32>
    %sub3A_20 = arith.subf %sub3A, %sub3A_19 : vector<512x2048xf32>
    %sub3A_21 = vector.broadcast %slice3A_8 : vector<512x1xf32> to vector<512x2048xf32>
    %sub3A_22 = vector.broadcast %get3A_18 : vector<1x2048xf32> to vector<512x2048xf32>
    %sub3A_23 = arith.subf %sub3A_21, %sub3A_22 : vector<512x2048xf32>
    %mul3A_24 = arith.mulf %sub3A_20, %sub3A_20 : vector<512x2048xf32>
    %mul3A_25 = arith.mulf %sub3A_23, %sub3A_23 : vector<512x2048xf32>
    %add3A_26 = arith.addf %mul3A_24, %mul3A_25 : vector<512x2048xf32>
    %iota3A_27 = tpu.iota {dimensions = array<i32: 1>} : vector<512x2048xi32>
    %eq3A = arith.cmpi eq, %iota3A_27, %add3A_7 : vector<512x2048xi32>
    %add3A_28 = arith.constant 1.000000e+10 : f32
    %add3A_29 = vector.broadcast %add3A_28 : f32 to vector<512x2048xf32>
    %add3A_30 = arith.addf %add3A_26, %add3A_29 : vector<512x2048xf32>
    %select_n3A = arith.select %eq3A, %add3A_30, %add3A_26 : vector<512x2048xi1>, vector<512x2048xf32>
    %lt3A = vector.broadcast %get3A_0 : i32 to vector<512x2048xi32>
    %lt3A_31 = arith.cmpi slt, %iota3A_27, %lt3A : vector<512x2048xi32>
    %jit3A = arith.constant 0x7F800000 : f32
    %broadcast_in_dim3A = vector.broadcast %jit3A : f32 to vector<512x2048xf32>
    %select_n3A_32 = arith.select %lt3A_31, %select_n3A, %broadcast_in_dim3A : vector<512x2048xi1>, vector<512x2048xf32>
    %reduce_min3A = arith.constant dense<0x7F800000> : vector<512xf32>
    %reduce_min3A_33 = vector.multi_reduction <minimumf>, %select_n3A_32, %reduce_min3A [1] : vector<512x2048xf32> to vector<512xf32>
    %broadcast_in_dim3A_34 = vector.shape_cast %reduce_min3A_33 : vector<512xf32> to vector<512x1xf32>
    %sqrt3A = math.sqrt %broadcast_in_dim3A_34 : vector<512x1xf32>
    %gt3A = vector.broadcast %broadcast_in_dim3A_34 : vector<512x1xf32> to vector<512x2048xf32>
    %gt3A_35 = arith.cmpf ogt, %select_n3A_32, %gt3A : vector<512x2048xf32>
    %jit3A_36 = arith.constant 0x7F800000 : f32
    %broadcast_in_dim3A_37 = vector.broadcast %jit3A_36 : f32 to vector<512x2048xf32>
    %select_n3A_38 = arith.select %gt3A_35, %select_n3A_32, %broadcast_in_dim3A_37 : vector<512x2048xi1>, vector<512x2048xf32>
    %reduce_min3A_39 = arith.constant dense<0x7F800000> : vector<512xf32>
    %reduce_min3A_40 = vector.multi_reduction <minimumf>, %select_n3A_38, %reduce_min3A_39 [1] : vector<512x2048xf32> to vector<512xf32>
    %broadcast_in_dim3A_41 = vector.shape_cast %reduce_min3A_40 : vector<512xf32> to vector<512x1xf32>
    %sqrt3A_42 = math.sqrt %broadcast_in_dim3A_41 : vector<512x1xf32>
    %add3A_43 = arith.addf %sqrt3A, %sqrt3A_42 : vector<512x1xf32>
    %gt3A_44 = vector.broadcast %broadcast_in_dim3A_41 : vector<512x1xf32> to vector<512x2048xf32>
    %gt3A_45 = arith.cmpf ogt, %select_n3A_32, %gt3A_44 : vector<512x2048xf32>
    %jit3A_46 = arith.constant 0x7F800000 : f32
    %broadcast_in_dim3A_47 = vector.broadcast %jit3A_46 : f32 to vector<512x2048xf32>
    %select_n3A_48 = arith.select %gt3A_45, %select_n3A_32, %broadcast_in_dim3A_47 : vector<512x2048xi1>, vector<512x2048xf32>
    %reduce_min3A_49 = arith.constant dense<0x7F800000> : vector<512xf32>
    %reduce_min3A_50 = vector.multi_reduction <minimumf>, %select_n3A_48, %reduce_min3A_49 [1] : vector<512x2048xf32> to vector<512xf32>
    %broadcast_in_dim3A_51 = vector.shape_cast %reduce_min3A_50 : vector<512xf32> to vector<512x1xf32>
    %sqrt3A_52 = math.sqrt %broadcast_in_dim3A_51 : vector<512x1xf32>
    %add3A_53 = arith.addf %add3A_43, %sqrt3A_52 : vector<512x1xf32>
    %gt3A_54 = vector.broadcast %broadcast_in_dim3A_51 : vector<512x1xf32> to vector<512x2048xf32>
    %gt3A_55 = arith.cmpf ogt, %select_n3A_32, %gt3A_54 : vector<512x2048xf32>
    %jit3A_56 = arith.constant 0x7F800000 : f32
    %broadcast_in_dim3A_57 = vector.broadcast %jit3A_56 : f32 to vector<512x2048xf32>
    %select_n3A_58 = arith.select %gt3A_55, %select_n3A_32, %broadcast_in_dim3A_57 : vector<512x2048xi1>, vector<512x2048xf32>
    %reduce_min3A_59 = arith.constant dense<0x7F800000> : vector<512xf32>
    %reduce_min3A_60 = vector.multi_reduction <minimumf>, %select_n3A_58, %reduce_min3A_59 [1] : vector<512x2048xf32> to vector<512xf32>
    %broadcast_in_dim3A_61 = vector.shape_cast %reduce_min3A_60 : vector<512xf32> to vector<512x1xf32>
    %sqrt3A_62 = math.sqrt %broadcast_in_dim3A_61 : vector<512x1xf32>
    %add3A_63 = arith.addf %add3A_53, %sqrt3A_62 : vector<512x1xf32>
    %gt3A_64 = vector.broadcast %broadcast_in_dim3A_61 : vector<512x1xf32> to vector<512x2048xf32>
    %gt3A_65 = arith.cmpf ogt, %select_n3A_32, %gt3A_64 : vector<512x2048xf32>
    %jit3A_66 = arith.constant 0x7F800000 : f32
    %broadcast_in_dim3A_67 = vector.broadcast %jit3A_66 : f32 to vector<512x2048xf32>
    %select_n3A_68 = arith.select %gt3A_65, %select_n3A_32, %broadcast_in_dim3A_67 : vector<512x2048xi1>, vector<512x2048xf32>
    %reduce_min3A_69 = arith.constant dense<0x7F800000> : vector<512xf32>
    %reduce_min3A_70 = vector.multi_reduction <minimumf>, %select_n3A_68, %reduce_min3A_69 [1] : vector<512x2048xf32> to vector<512xf32>
    %broadcast_in_dim3A_71 = vector.shape_cast %reduce_min3A_70 : vector<512xf32> to vector<512x1xf32>
    %sqrt3A_72 = math.sqrt %broadcast_in_dim3A_71 : vector<512x1xf32>
    %add3A_73 = arith.addf %add3A_63, %sqrt3A_72 : vector<512x1xf32>
    %gt3A_74 = vector.broadcast %broadcast_in_dim3A_71 : vector<512x1xf32> to vector<512x2048xf32>
    %gt3A_75 = arith.cmpf ogt, %select_n3A_32, %gt3A_74 : vector<512x2048xf32>
    %jit3A_76 = arith.constant 0x7F800000 : f32
    %broadcast_in_dim3A_77 = vector.broadcast %jit3A_76 : f32 to vector<512x2048xf32>
    %select_n3A_78 = arith.select %gt3A_75, %select_n3A_32, %broadcast_in_dim3A_77 : vector<512x2048xi1>, vector<512x2048xf32>
    %reduce_min3A_79 = arith.constant dense<0x7F800000> : vector<512xf32>
    %reduce_min3A_80 = vector.multi_reduction <minimumf>, %select_n3A_78, %reduce_min3A_79 [1] : vector<512x2048xf32> to vector<512xf32>
    %broadcast_in_dim3A_81 = vector.shape_cast %reduce_min3A_80 : vector<512xf32> to vector<512x1xf32>
    %sqrt3A_82 = math.sqrt %broadcast_in_dim3A_81 : vector<512x1xf32>
    %add3A_83 = arith.addf %add3A_73, %sqrt3A_82 : vector<512x1xf32>
    %gt3A_84 = vector.broadcast %broadcast_in_dim3A_81 : vector<512x1xf32> to vector<512x2048xf32>
    %gt3A_85 = arith.cmpf ogt, %select_n3A_32, %gt3A_84 : vector<512x2048xf32>
    %jit3A_86 = arith.constant 0x7F800000 : f32
    %broadcast_in_dim3A_87 = vector.broadcast %jit3A_86 : f32 to vector<512x2048xf32>
    %select_n3A_88 = arith.select %gt3A_85, %select_n3A_32, %broadcast_in_dim3A_87 : vector<512x2048xi1>, vector<512x2048xf32>
    %reduce_min3A_89 = arith.constant dense<0x7F800000> : vector<512xf32>
    %reduce_min3A_90 = vector.multi_reduction <minimumf>, %select_n3A_88, %reduce_min3A_89 [1] : vector<512x2048xf32> to vector<512xf32>
    %broadcast_in_dim3A_91 = vector.shape_cast %reduce_min3A_90 : vector<512xf32> to vector<512x1xf32>
    %sqrt3A_92 = math.sqrt %broadcast_in_dim3A_91 : vector<512x1xf32>
    %add3A_93 = arith.addf %add3A_83, %sqrt3A_92 : vector<512x1xf32>
    %gt3A_94 = vector.broadcast %broadcast_in_dim3A_91 : vector<512x1xf32> to vector<512x2048xf32>
    %gt3A_95 = arith.cmpf ogt, %select_n3A_32, %gt3A_94 : vector<512x2048xf32>
    %jit3A_96 = arith.constant 0x7F800000 : f32
    %broadcast_in_dim3A_97 = vector.broadcast %jit3A_96 : f32 to vector<512x2048xf32>
    %select_n3A_98 = arith.select %gt3A_95, %select_n3A_32, %broadcast_in_dim3A_97 : vector<512x2048xi1>, vector<512x2048xf32>
    %reduce_min3A_99 = arith.constant dense<0x7F800000> : vector<512xf32>
    %reduce_min3A_100 = vector.multi_reduction <minimumf>, %select_n3A_98, %reduce_min3A_99 [1] : vector<512x2048xf32> to vector<512xf32>
    %broadcast_in_dim3A_101 = vector.shape_cast %reduce_min3A_100 : vector<512xf32> to vector<512x1xf32>
    %sqrt3A_102 = math.sqrt %broadcast_in_dim3A_101 : vector<512x1xf32>
    %add3A_103 = arith.addf %add3A_93, %sqrt3A_102 : vector<512x1xf32>
    %gt3A_104 = vector.broadcast %broadcast_in_dim3A_101 : vector<512x1xf32> to vector<512x2048xf32>
    %gt3A_105 = arith.cmpf ogt, %select_n3A_32, %gt3A_104 : vector<512x2048xf32>
    %jit3A_106 = arith.constant 0x7F800000 : f32
    %broadcast_in_dim3A_107 = vector.broadcast %jit3A_106 : f32 to vector<512x2048xf32>
    %select_n3A_108 = arith.select %gt3A_105, %select_n3A_32, %broadcast_in_dim3A_107 : vector<512x2048xi1>, vector<512x2048xf32>
    %reduce_min3A_109 = arith.constant dense<0x7F800000> : vector<512xf32>
    %reduce_min3A_110 = vector.multi_reduction <minimumf>, %select_n3A_108, %reduce_min3A_109 [1] : vector<512x2048xf32> to vector<512xf32>
    %broadcast_in_dim3A_111 = vector.shape_cast %reduce_min3A_110 : vector<512xf32> to vector<512x1xf32>
    %sqrt3A_112 = math.sqrt %broadcast_in_dim3A_111 : vector<512x1xf32>
    %add3A_113 = arith.addf %add3A_103, %sqrt3A_112 : vector<512x1xf32>
    %gt3A_114 = vector.broadcast %broadcast_in_dim3A_111 : vector<512x1xf32> to vector<512x2048xf32>
    %gt3A_115 = arith.cmpf ogt, %select_n3A_32, %gt3A_114 : vector<512x2048xf32>
    %jit3A_116 = arith.constant 0x7F800000 : f32
    %broadcast_in_dim3A_117 = vector.broadcast %jit3A_116 : f32 to vector<512x2048xf32>
    %select_n3A_118 = arith.select %gt3A_115, %select_n3A_32, %broadcast_in_dim3A_117 : vector<512x2048xi1>, vector<512x2048xf32>
    %reduce_min3A_119 = arith.constant dense<0x7F800000> : vector<512xf32>
    %reduce_min3A_120 = vector.multi_reduction <minimumf>, %select_n3A_118, %reduce_min3A_119 [1] : vector<512x2048xf32> to vector<512xf32>
    %broadcast_in_dim3A_121 = vector.shape_cast %reduce_min3A_120 : vector<512xf32> to vector<512x1xf32>
    %sqrt3A_122 = math.sqrt %broadcast_in_dim3A_121 : vector<512x1xf32>
    %add3A_123 = arith.addf %add3A_113, %sqrt3A_122 : vector<512x1xf32>
    %gt3A_124 = vector.broadcast %broadcast_in_dim3A_121 : vector<512x1xf32> to vector<512x2048xf32>
    %gt3A_125 = arith.cmpf ogt, %select_n3A_32, %gt3A_124 : vector<512x2048xf32>
    %jit3A_126 = arith.constant 0x7F800000 : f32
    %broadcast_in_dim3A_127 = vector.broadcast %jit3A_126 : f32 to vector<512x2048xf32>
    %select_n3A_128 = arith.select %gt3A_125, %select_n3A_32, %broadcast_in_dim3A_127 : vector<512x2048xi1>, vector<512x2048xf32>
    %reduce_min3A_129 = arith.constant dense<0x7F800000> : vector<512xf32>
    %reduce_min3A_130 = vector.multi_reduction <minimumf>, %select_n3A_128, %reduce_min3A_129 [1] : vector<512x2048xf32> to vector<512xf32>
    %broadcast_in_dim3A_131 = vector.shape_cast %reduce_min3A_130 : vector<512xf32> to vector<512x1xf32>
    %sqrt3A_132 = math.sqrt %broadcast_in_dim3A_131 : vector<512x1xf32>
    %add3A_133 = arith.addf %add3A_123, %sqrt3A_132 : vector<512x1xf32>
    %gt3A_134 = vector.broadcast %broadcast_in_dim3A_131 : vector<512x1xf32> to vector<512x2048xf32>
    %gt3A_135 = arith.cmpf ogt, %select_n3A_32, %gt3A_134 : vector<512x2048xf32>
    %jit3A_136 = arith.constant 0x7F800000 : f32
    %broadcast_in_dim3A_137 = vector.broadcast %jit3A_136 : f32 to vector<512x2048xf32>
    %select_n3A_138 = arith.select %gt3A_135, %select_n3A_32, %broadcast_in_dim3A_137 : vector<512x2048xi1>, vector<512x2048xf32>
    %reduce_min3A_139 = arith.constant dense<0x7F800000> : vector<512xf32>
    %reduce_min3A_140 = vector.multi_reduction <minimumf>, %select_n3A_138, %reduce_min3A_139 [1] : vector<512x2048xf32> to vector<512xf32>
    %broadcast_in_dim3A_141 = vector.shape_cast %reduce_min3A_140 : vector<512xf32> to vector<512x1xf32>
    %sqrt3A_142 = math.sqrt %broadcast_in_dim3A_141 : vector<512x1xf32>
    %add3A_143 = arith.addf %add3A_133, %sqrt3A_142 : vector<512x1xf32>
    %gt3A_144 = vector.broadcast %broadcast_in_dim3A_141 : vector<512x1xf32> to vector<512x2048xf32>
    %gt3A_145 = arith.cmpf ogt, %select_n3A_32, %gt3A_144 : vector<512x2048xf32>
    %jit3A_146 = arith.constant 0x7F800000 : f32
    %broadcast_in_dim3A_147 = vector.broadcast %jit3A_146 : f32 to vector<512x2048xf32>
    %select_n3A_148 = arith.select %gt3A_145, %select_n3A_32, %broadcast_in_dim3A_147 : vector<512x2048xi1>, vector<512x2048xf32>
    %reduce_min3A_149 = arith.constant dense<0x7F800000> : vector<512xf32>
    %reduce_min3A_150 = vector.multi_reduction <minimumf>, %select_n3A_148, %reduce_min3A_149 [1] : vector<512x2048xf32> to vector<512xf32>
    %broadcast_in_dim3A_151 = vector.shape_cast %reduce_min3A_150 : vector<512xf32> to vector<512x1xf32>
    %sqrt3A_152 = math.sqrt %broadcast_in_dim3A_151 : vector<512x1xf32>
    %add3A_153 = arith.addf %add3A_143, %sqrt3A_152 : vector<512x1xf32>
    %gt3A_154 = vector.broadcast %broadcast_in_dim3A_151 : vector<512x1xf32> to vector<512x2048xf32>
    %gt3A_155 = arith.cmpf ogt, %select_n3A_32, %gt3A_154 : vector<512x2048xf32>
    %jit3A_156 = arith.constant 0x7F800000 : f32
    %broadcast_in_dim3A_157 = vector.broadcast %jit3A_156 : f32 to vector<512x2048xf32>
    %select_n3A_158 = arith.select %gt3A_155, %select_n3A_32, %broadcast_in_dim3A_157 : vector<512x2048xi1>, vector<512x2048xf32>
    %reduce_min3A_159 = arith.constant dense<0x7F800000> : vector<512xf32>
    %reduce_min3A_160 = vector.multi_reduction <minimumf>, %select_n3A_158, %reduce_min3A_159 [1] : vector<512x2048xf32> to vector<512xf32>
    %broadcast_in_dim3A_161 = vector.shape_cast %reduce_min3A_160 : vector<512xf32> to vector<512x1xf32>
    %sqrt3A_162 = math.sqrt %broadcast_in_dim3A_161 : vector<512x1xf32>
    %add3A_163 = arith.addf %add3A_153, %sqrt3A_162 : vector<512x1xf32>
    %gt3A_164 = vector.broadcast %broadcast_in_dim3A_161 : vector<512x1xf32> to vector<512x2048xf32>
    %gt3A_165 = arith.cmpf ogt, %select_n3A_32, %gt3A_164 : vector<512x2048xf32>
    %jit3A_166 = arith.constant 0x7F800000 : f32
    %broadcast_in_dim3A_167 = vector.broadcast %jit3A_166 : f32 to vector<512x2048xf32>
    %select_n3A_168 = arith.select %gt3A_165, %select_n3A_32, %broadcast_in_dim3A_167 : vector<512x2048xi1>, vector<512x2048xf32>
    %reduce_min3A_169 = arith.constant dense<0x7F800000> : vector<512xf32>
    %reduce_min3A_170 = vector.multi_reduction <minimumf>, %select_n3A_168, %reduce_min3A_169 [1] : vector<512x2048xf32> to vector<512xf32>
    %broadcast_in_dim3A_171 = vector.shape_cast %reduce_min3A_170 : vector<512xf32> to vector<512x1xf32>
    %sqrt3A_172 = math.sqrt %broadcast_in_dim3A_171 : vector<512x1xf32>
    %add3A_173 = arith.addf %add3A_163, %sqrt3A_172 : vector<512x1xf32>
    %gt3A_174 = vector.broadcast %broadcast_in_dim3A_171 : vector<512x1xf32> to vector<512x2048xf32>
    %gt3A_175 = arith.cmpf ogt, %select_n3A_32, %gt3A_174 : vector<512x2048xf32>
    %jit3A_176 = arith.constant 0x7F800000 : f32
    %broadcast_in_dim3A_177 = vector.broadcast %jit3A_176 : f32 to vector<512x2048xf32>
    %select_n3A_178 = arith.select %gt3A_175, %select_n3A_32, %broadcast_in_dim3A_177 : vector<512x2048xi1>, vector<512x2048xf32>
    %reduce_min3A_179 = arith.constant dense<0x7F800000> : vector<512xf32>
    %reduce_min3A_180 = vector.multi_reduction <minimumf>, %select_n3A_178, %reduce_min3A_179 [1] : vector<512x2048xf32> to vector<512xf32>
    %broadcast_in_dim3A_181 = vector.shape_cast %reduce_min3A_180 : vector<512xf32> to vector<512x1xf32>
    %sqrt3A_182 = math.sqrt %broadcast_in_dim3A_181 : vector<512x1xf32>
    %add3A_183 = arith.addf %add3A_173, %sqrt3A_182 : vector<512x1xf32>
    %squeeze3A = vector.shape_cast %add3A_183 : vector<512x1xf32> to vector<512xf32>
    %swap3A = arith.constant 0 : index
    %swap3A_184 = arith.constant 0 : index
    %swap3A_185 = arith.constant 0 : index
    %swap3A_186 = vector.load %arg5[%swap3A, %swap3A_184, %swap3A_185] : memref<1x1x512xf32, #tpu.memory_space<vmem>>, vector<1x1x512xf32>
    %swap3A_187 = vector.shape_cast %swap3A_186 : vector<1x1x512xf32> to vector<512xf32>
    %swap3A_188 = vector.shape_cast %squeeze3A : vector<512xf32> to vector<1x1x512xf32>
    tpu.vector_store %arg5[%swap3A, %swap3A_184, %swap3A_185], %swap3A_188 {strides = array<i32>} : memref<1x1x512xf32, #tpu.memory_space<vmem>>, vector<1x1x512xf32>,
    %slice3A_189 = vector.extract_strided_slice %add3A_7 {offsets = [0, 0], sizes = [512, 1], strides = [1, 1]} : vector<512x2048xi32> to vector<512x1xi32>
    %lt3A_190 = vector.broadcast %get3A_0 : i32 to vector<512x1xi32>
    %lt3A_191 = arith.cmpi slt, %slice3A_189, %lt3A_190 : vector<512x1xi32>
    %jit3A_192 = arith.constant 0xFF800000 : f32
    %broadcast_in_dim3A_193 = vector.broadcast %jit3A_192 : f32 to vector<512x1xf32>
    %select_n3A_194 = arith.select %lt3A_191, %sqrt3A_182, %broadcast_in_dim3A_193 : vector<512x1xi1>, vector<512x1xf32>
    %reduce_max3A = vector.shape_cast %select_n3A_194 : vector<512x1xf32> to vector<1x512x1xf32>
    %reduce_max3A_195 = arith.constant dense<0xFF800000> : vector<1xf32>
    %reduce_max3A_196 = vector.multi_reduction <maximumf>, %reduce_max3A, %reduce_max3A_195 [1, 2] : vector<1x512x1xf32> to vector<1xf32>
    %reduce_max3A_197 = vector.shape_cast %reduce_max3A_196 : vector<1xf32> to vector<1x1x1xf32>
    %reduce_max3A_198 = vector.extract %reduce_max3A_197[0, 0, 0] : f32 from vector<1x1x1xf32>
    %jit3A_199 = arith.constant 0x7F800000 : f32
    %broadcast_in_dim3A_200 = vector.broadcast %jit3A_199 : f32 to vector<512x1xf32>
    %select_n3A_201 = arith.select %lt3A_191, %sqrt3A, %broadcast_in_dim3A_200 : vector<512x1xi1>, vector<512x1xf32>
    %reduce_min3A_202 = vector.shape_cast %select_n3A_201 : vector<512x1xf32> to vector<1x512x1xf32>
    %reduce_min3A_203 = arith.constant dense<0x7F800000> : vector<1xf32>
    %reduce_min3A_204 = vector.multi_reduction <minimumf>, %reduce_min3A_202, %reduce_min3A_203 [1, 2] : vector<1x512x1xf32> to vector<1xf32>
    %reduce_min3A_205 = vector.shape_cast %reduce_min3A_204 : vector<1xf32> to vector<1x1x1xf32>
    %reduce_min3A_206 = vector.extract %reduce_min3A_205[0, 0, 0] : f32 from vector<1x1x1xf32>
    %eq3A_207 = arith.constant 0 : i32
    %eq3A_208 = arith.cmpi eq, %arg0, %eq3A_207 : i32
    %eq3A_209 = arith.constant 0 : i32
    %eq3A_210 = arith.cmpi eq, %arg1, %eq3A_209 : i32
    %and3A = arith.andi %eq3A_208, %eq3A_210 : i1
    %convert_element_type3A = arith.extui %and3A : i1 to i32
    %cond3A = arith.constant 0 : i32
    %cond3A_211 = arith.cmpi ne, %convert_element_type3A, %cond3A : i32
    scf.if %cond3A_211 {
      %broadcast_in_dim3A_226 = arith.constant 0xFF800000 : f32
      %broadcast_in_dim3A_227 = vector.broadcast %broadcast_in_dim3A_226 : f32 to vector<1x1xf32>
      %swap3A_228 = arith.constant 0 : index
      %swap3A_229 = arith.constant 0 : index
      %swap3A_230 = vector.load %arg6[%swap3A_228, %swap3A_229] : memref<1x1xf32, #tpu.memory_space<vmem>>, vector<1x1xf32>
      tpu.vector_store %arg6[%swap3A_228, %swap3A_229], %broadcast_in_dim3A_227 {strides = array<i32>} : memref<1x1xf32, #tpu.memory_space<vmem>>, vector<1x1xf32>,
      %broadcast_in_dim3A_231 = arith.constant 0x7F800000 : f32
      %broadcast_in_dim3A_232 = vector.broadcast %broadcast_in_dim3A_231 : f32 to vector<1x1xf32>
      %swap3A_233 = arith.constant 0 : index
      %swap3A_234 = arith.constant 0 : index
      %swap3A_235 = vector.load %arg7[%swap3A_233, %swap3A_234] : memref<1x1xf32, #tpu.memory_space<vmem>>, vector<1x1xf32>
      tpu.vector_store %arg7[%swap3A_233, %swap3A_234], %broadcast_in_dim3A_232 {strides = array<i32>} : memref<1x1xf32, #tpu.memory_space<vmem>>, vector<1x1xf32>,
    } else {
    }
    %get3A_212 = arith.constant 0 : index
    %get3A_213 = arith.constant 0 : index
    %get3A_214 = vector.load %arg6[%get3A_212, %get3A_213] : memref<1x1xf32, #tpu.memory_space<vmem>>, vector<1x1xf32>
    %max3A = vector.broadcast %reduce_max3A_198 : f32 to vector<1x1xf32>
    %max3A_215 = arith.maximumf %get3A_214, %max3A : vector<1x1xf32>
    %swap3A_216 = arith.constant 0 : index
    %swap3A_217 = arith.constant 0 : index
    %swap3A_218 = vector.load %arg6[%swap3A_216, %swap3A_217] : memref<1x1xf32, #tpu.memory_space<vmem>>, vector<1x1xf32>
    tpu.vector_store %arg6[%swap3A_216, %swap3A_217], %max3A_215 {strides = array<i32>} : memref<1x1xf32, #tpu.memory_space<vmem>>, vector<1x1xf32>,
    %get3A_219 = arith.constant 0 : index
    %get3A_220 = arith.constant 0 : index
    %get3A_221 = vector.load %arg7[%get3A_219, %get3A_220] : memref<1x1xf32, #tpu.memory_space<vmem>>, vector<1x1xf32>
    %min3A = vector.broadcast %reduce_min3A_206 : f32 to vector<1x1xf32>
    %min3A_222 = arith.minimumf %get3A_221, %min3A : vector<1x1xf32>
    %swap3A_223 = arith.constant 0 : index
    %swap3A_224 = arith.constant 0 : index
    %swap3A_225 = vector.load %arg7[%swap3A_223, %swap3A_224] : memref<1x1xf32, #tpu.memory_space<vmem>>, vector<1x1xf32>
    tpu.vector_store %arg7[%swap3A_223, %swap3A_224], %min3A_222 {strides = array<i32>} : memref<1x1xf32, #tpu.memory_space<vmem>>, vector<1x1xf32>,
    return
  }
  func.func @transform_0(%arg0: i32, %arg1: i32, %arg2: memref<8xi32, #tpu.memory_space<smem>>) -> (i32, i32, i32) {
    %c0_i32 = arith.constant 0 : i32
    %c0_i32_0 = arith.constant 0 : i32
    return %arg0, %arg1, %c0_i32 : i32, i32, i32
  }
  func.func @transform_1(%arg0: i32, %arg1: i32, %arg2: memref<8xi32, #tpu.memory_space<smem>>) -> (i32, i32, i32) {
    %c0_i32 = arith.constant 0 : i32
    %c0_i32_0 = arith.constant 0 : i32
    %c0_i32_1 = arith.constant 0 : i32
    return %arg0, %c0_i32, %c0_i32_0 : i32, i32, i32
  }
  func.func @transform_2(%arg0: i32, %arg1: i32, %arg2: memref<8xi32, #tpu.memory_space<smem>>) -> (i32, i32, i32) {
    %c0_i32 = arith.constant 0 : i32
    %c0_i32_0 = arith.constant 0 : i32
    return %arg0, %c0_i32, %arg1 : i32, i32, i32
  }
  func.func @transform_3(%arg0: i32, %arg1: i32, %arg2: memref<8xi32, #tpu.memory_space<smem>>) -> (i32, i32) {
    %c0_i32 = arith.constant 0 : i32
    %c0_i32_0 = arith.constant 0 : i32
    %c0_i32_1 = arith.constant 0 : i32
    return %c0_i32, %c0_i32_0 : i32, i32
  }
  func.func @transform_4(%arg0: i32, %arg1: i32, %arg2: memref<8xi32, #tpu.memory_space<smem>>) -> (i32, i32) {
    %c0_i32 = arith.constant 0 : i32
    %c0_i32_0 = arith.constant 0 : i32
    %c0_i32_1 = arith.constant 0 : i32
    return %c0_i32, %c0_i32_0 : i32, i32
  }
}

module attributes {stable_mosaic.version = 14 : i64} {
  func.func @_head_topk_body(%arg0: i32, %arg1: memref<8xi32, #tpu.memory_space<smem>>, %arg2: memref<1x2048x2xf32, #tpu.memory_space<vmem>>, %arg3: memref<1x2x2048xf32, #tpu.memory_space<vmem>>, %arg4: memref<1x1x16xi32, #tpu.memory_space<vmem>>, %arg5: memref<1x1x16xf32, #tpu.memory_space<vmem>>, %arg6: memref<1x16x16xi32, #tpu.memory_space<vmem>>, %arg7: memref<1x16x16xf32, #tpu.memory_space<vmem>>) attributes {dimension_semantics = [#tpu.dimension_semantics<arbitrary>], iteration_bounds = array<i64: 8>, scalar_prefetch = 1 : i64, scratch_operands = 0 : i64, tpu.core_type = #tpu.core_type<tc>, window_params = [{transform_indices = @transform_0, window_bounds = array<i64: 1, 2048, 2>}, {transform_indices = @transform_1, window_bounds = array<i64: 1, 2, 2048>}, {transform_indices = @transform_2, window_bounds = array<i64: 1, 1, 16>}, {transform_indices = @transform_3, window_bounds = array<i64: 1, 1, 16>}, {transform_indices = @transform_4, window_bounds = array<i64: 1, 16, 16>}, {transform_indices = @transform_5, window_bounds = array<i64: 1, 16, 16>}]} {
    %get3A = arith.index_cast %arg0 : i32 to index
    %get3A_0 = memref.load %arg1[%get3A] : memref<8xi32, #tpu.memory_space<smem>>
    %get3A_1 = arith.constant 0 : index
    %get3A_2 = arith.constant 0 : index
    %get3A_3 = arith.constant 0 : index
    %get3A_4 = vector.load %arg2[%get3A_1, %get3A_2, %get3A_3] : memref<1x2048x2xf32, #tpu.memory_space<vmem>>, vector<1x2048x2xf32>
    %get3A_5 = vector.shape_cast %get3A_4 : vector<1x2048x2xf32> to vector<2048x2xf32>
    %slice3A = vector.extract_strided_slice %get3A_5 {offsets = [0, 0], sizes = [1, 1], strides = [1, 1]} : vector<2048x2xf32> to vector<1x1xf32>
    %slice3A_6 = vector.extract_strided_slice %get3A_5 {offsets = [0, 1], sizes = [1, 1], strides = [1, 1]} : vector<2048x2xf32> to vector<1x1xf32>
    %get3A_7 = arith.constant 0 : index
    %get3A_8 = arith.constant 0 : index
    %get3A_9 = arith.constant 0 : index
    %get3A_10 = vector.load %arg3[%get3A_7, %get3A_8, %get3A_9] : memref<1x2x2048xf32, #tpu.memory_space<vmem>>, vector<1x1x2048xf32>
    %get3A_11 = vector.shape_cast %get3A_10 : vector<1x1x2048xf32> to vector<1x2048xf32>
    %get3A_12 = arith.constant 0 : index
    %get3A_13 = arith.constant 1 : index
    %get3A_14 = arith.constant 0 : index
    %get3A_15 = vector.load %arg3[%get3A_12, %get3A_13, %get3A_14] : memref<1x2x2048xf32, #tpu.memory_space<vmem>>, vector<1x1x2048xf32>
    %get3A_16 = vector.shape_cast %get3A_15 : vector<1x1x2048xf32> to vector<1x2048xf32>
    %sub3A = vector.broadcast %slice3A : vector<1x1xf32> to vector<1x2048xf32>
    %sub3A_17 = arith.subf %sub3A, %get3A_11 : vector<1x2048xf32>
    %sub3A_18 = vector.broadcast %slice3A_6 : vector<1x1xf32> to vector<1x2048xf32>
    %sub3A_19 = arith.subf %sub3A_18, %get3A_16 : vector<1x2048xf32>
    %mul3A = arith.mulf %sub3A_17, %sub3A_17 : vector<1x2048xf32>
    %mul3A_20 = arith.mulf %sub3A_19, %sub3A_19 : vector<1x2048xf32>
    %add3A = arith.addf %mul3A, %mul3A_20 : vector<1x2048xf32>
    %iota3A = tpu.iota {dimensions = array<i32: 1>} : vector<1x2048xi32>
    %eq3A = arith.constant 0 : i32
    %eq3A_21 = vector.broadcast %eq3A : i32 to vector<1x2048xi32>
    %eq3A_22 = arith.cmpi eq, %iota3A, %eq3A_21 : vector<1x2048xi32>
    %add3A_23 = arith.constant 1.000000e+10 : f32
    %add3A_24 = vector.broadcast %add3A_23 : f32 to vector<1x2048xf32>
    %add3A_25 = arith.addf %add3A, %add3A_24 : vector<1x2048xf32>
    %select_n3A = arith.select %eq3A_22, %add3A_25, %add3A : vector<1x2048xi1>, vector<1x2048xf32>
    %lt3A = vector.broadcast %get3A_0 : i32 to vector<1x2048xi32>
    %lt3A_26 = arith.cmpi slt, %iota3A, %lt3A : vector<1x2048xi32>
    %jit3A = arith.constant 0x7F800000 : f32
    %broadcast_in_dim3A = vector.broadcast %jit3A : f32 to vector<1x2048xf32>
    %select_n3A_27 = arith.select %lt3A_26, %select_n3A, %broadcast_in_dim3A : vector<1x2048xi1>, vector<1x2048xf32>
    %reduce_min3A = arith.constant dense<0x7F800000> : vector<1xf32>
    %reduce_min3A_28 = vector.multi_reduction <minimumf>, %select_n3A_27, %reduce_min3A [1] : vector<1x2048xf32> to vector<1xf32>
    %broadcast_in_dim3A_29 = vector.shape_cast %reduce_min3A_28 : vector<1xf32> to vector<1x1xf32>
    %eq3A_30 = vector.broadcast %broadcast_in_dim3A_29 : vector<1x1xf32> to vector<1x2048xf32>
    %eq3A_31 = arith.cmpf oeq, %select_n3A_27, %eq3A_30 : vector<1x2048xf32>
    %jit3A_32 = arith.constant 2048 : i32
    %broadcast_in_dim3A_33 = vector.broadcast %jit3A_32 : i32 to vector<1x2048xi32>
    %select_n3A_34 = arith.select %eq3A_31, %iota3A, %broadcast_in_dim3A_33 : vector<1x2048xi1>, vector<1x2048xi32>
    %reduce_min3A_35 = arith.constant dense<2147483647> : vector<1xi32>
    %reduce_min3A_36 = vector.multi_reduction <minsi>, %select_n3A_34, %reduce_min3A_35 [1] : vector<1x2048xi32> to vector<1xi32>
    %broadcast_in_dim3A_37 = vector.shape_cast %reduce_min3A_36 : vector<1xi32> to vector<1x1xi32>
    %sqrt3A = math.sqrt %broadcast_in_dim3A_29 : vector<1x1xf32>
    %gt3A = vector.broadcast %broadcast_in_dim3A_29 : vector<1x1xf32> to vector<1x2048xf32>
    %gt3A_38 = arith.cmpf ogt, %select_n3A_27, %gt3A : vector<1x2048xf32>
    %jit3A_39 = arith.constant 0x7F800000 : f32
    %broadcast_in_dim3A_40 = vector.broadcast %jit3A_39 : f32 to vector<1x2048xf32>
    %select_n3A_41 = arith.select %gt3A_38, %select_n3A_27, %broadcast_in_dim3A_40 : vector<1x2048xi1>, vector<1x2048xf32>
    %reduce_min3A_42 = arith.constant dense<0x7F800000> : vector<1xf32>
    %reduce_min3A_43 = vector.multi_reduction <minimumf>, %select_n3A_41, %reduce_min3A_42 [1] : vector<1x2048xf32> to vector<1xf32>
    %broadcast_in_dim3A_44 = vector.shape_cast %reduce_min3A_43 : vector<1xf32> to vector<1x1xf32>
    %eq3A_45 = vector.broadcast %broadcast_in_dim3A_44 : vector<1x1xf32> to vector<1x2048xf32>
    %eq3A_46 = arith.cmpf oeq, %select_n3A_27, %eq3A_45 : vector<1x2048xf32>
    %jit3A_47 = arith.constant 2048 : i32
    %broadcast_in_dim3A_48 = vector.broadcast %jit3A_47 : i32 to vector<1x2048xi32>
    %select_n3A_49 = arith.select %eq3A_46, %iota3A, %broadcast_in_dim3A_48 : vector<1x2048xi1>, vector<1x2048xi32>
    %reduce_min3A_50 = arith.constant dense<2147483647> : vector<1xi32>
    %reduce_min3A_51 = vector.multi_reduction <minsi>, %select_n3A_49, %reduce_min3A_50 [1] : vector<1x2048xi32> to vector<1xi32>
    %broadcast_in_dim3A_52 = vector.shape_cast %reduce_min3A_51 : vector<1xi32> to vector<1x1xi32>
    %sqrt3A_53 = math.sqrt %broadcast_in_dim3A_44 : vector<1x1xf32>
    %gt3A_54 = vector.broadcast %broadcast_in_dim3A_44 : vector<1x1xf32> to vector<1x2048xf32>
    %gt3A_55 = arith.cmpf ogt, %select_n3A_27, %gt3A_54 : vector<1x2048xf32>
    %jit3A_56 = arith.constant 0x7F800000 : f32
    %broadcast_in_dim3A_57 = vector.broadcast %jit3A_56 : f32 to vector<1x2048xf32>
    %select_n3A_58 = arith.select %gt3A_55, %select_n3A_27, %broadcast_in_dim3A_57 : vector<1x2048xi1>, vector<1x2048xf32>
    %reduce_min3A_59 = arith.constant dense<0x7F800000> : vector<1xf32>
    %reduce_min3A_60 = vector.multi_reduction <minimumf>, %select_n3A_58, %reduce_min3A_59 [1] : vector<1x2048xf32> to vector<1xf32>
    %broadcast_in_dim3A_61 = vector.shape_cast %reduce_min3A_60 : vector<1xf32> to vector<1x1xf32>
    %eq3A_62 = vector.broadcast %broadcast_in_dim3A_61 : vector<1x1xf32> to vector<1x2048xf32>
    %eq3A_63 = arith.cmpf oeq, %select_n3A_27, %eq3A_62 : vector<1x2048xf32>
    %jit3A_64 = arith.constant 2048 : i32
    %broadcast_in_dim3A_65 = vector.broadcast %jit3A_64 : i32 to vector<1x2048xi32>
    %select_n3A_66 = arith.select %eq3A_63, %iota3A, %broadcast_in_dim3A_65 : vector<1x2048xi1>, vector<1x2048xi32>
    %reduce_min3A_67 = arith.constant dense<2147483647> : vector<1xi32>
    %reduce_min3A_68 = vector.multi_reduction <minsi>, %select_n3A_66, %reduce_min3A_67 [1] : vector<1x2048xi32> to vector<1xi32>
    %broadcast_in_dim3A_69 = vector.shape_cast %reduce_min3A_68 : vector<1xi32> to vector<1x1xi32>
    %sqrt3A_70 = math.sqrt %broadcast_in_dim3A_61 : vector<1x1xf32>
    %gt3A_71 = vector.broadcast %broadcast_in_dim3A_61 : vector<1x1xf32> to vector<1x2048xf32>
    %gt3A_72 = arith.cmpf ogt, %select_n3A_27, %gt3A_71 : vector<1x2048xf32>
    %jit3A_73 = arith.constant 0x7F800000 : f32
    %broadcast_in_dim3A_74 = vector.broadcast %jit3A_73 : f32 to vector<1x2048xf32>
    %select_n3A_75 = arith.select %gt3A_72, %select_n3A_27, %broadcast_in_dim3A_74 : vector<1x2048xi1>, vector<1x2048xf32>
    %reduce_min3A_76 = arith.constant dense<0x7F800000> : vector<1xf32>
    %reduce_min3A_77 = vector.multi_reduction <minimumf>, %select_n3A_75, %reduce_min3A_76 [1] : vector<1x2048xf32> to vector<1xf32>
    %broadcast_in_dim3A_78 = vector.shape_cast %reduce_min3A_77 : vector<1xf32> to vector<1x1xf32>
    %eq3A_79 = vector.broadcast %broadcast_in_dim3A_78 : vector<1x1xf32> to vector<1x2048xf32>
    %eq3A_80 = arith.cmpf oeq, %select_n3A_27, %eq3A_79 : vector<1x2048xf32>
    %jit3A_81 = arith.constant 2048 : i32
    %broadcast_in_dim3A_82 = vector.broadcast %jit3A_81 : i32 to vector<1x2048xi32>
    %select_n3A_83 = arith.select %eq3A_80, %iota3A, %broadcast_in_dim3A_82 : vector<1x2048xi1>, vector<1x2048xi32>
    %reduce_min3A_84 = arith.constant dense<2147483647> : vector<1xi32>
    %reduce_min3A_85 = vector.multi_reduction <minsi>, %select_n3A_83, %reduce_min3A_84 [1] : vector<1x2048xi32> to vector<1xi32>
    %broadcast_in_dim3A_86 = vector.shape_cast %reduce_min3A_85 : vector<1xi32> to vector<1x1xi32>
    %sqrt3A_87 = math.sqrt %broadcast_in_dim3A_78 : vector<1x1xf32>
    %gt3A_88 = vector.broadcast %broadcast_in_dim3A_78 : vector<1x1xf32> to vector<1x2048xf32>
    %gt3A_89 = arith.cmpf ogt, %select_n3A_27, %gt3A_88 : vector<1x2048xf32>
    %jit3A_90 = arith.constant 0x7F800000 : f32
    %broadcast_in_dim3A_91 = vector.broadcast %jit3A_90 : f32 to vector<1x2048xf32>
    %select_n3A_92 = arith.select %gt3A_89, %select_n3A_27, %broadcast_in_dim3A_91 : vector<1x2048xi1>, vector<1x2048xf32>
    %reduce_min3A_93 = arith.constant dense<0x7F800000> : vector<1xf32>
    %reduce_min3A_94 = vector.multi_reduction <minimumf>, %select_n3A_92, %reduce_min3A_93 [1] : vector<1x2048xf32> to vector<1xf32>
    %broadcast_in_dim3A_95 = vector.shape_cast %reduce_min3A_94 : vector<1xf32> to vector<1x1xf32>
    %eq3A_96 = vector.broadcast %broadcast_in_dim3A_95 : vector<1x1xf32> to vector<1x2048xf32>
    %eq3A_97 = arith.cmpf oeq, %select_n3A_27, %eq3A_96 : vector<1x2048xf32>
    %jit3A_98 = arith.constant 2048 : i32
    %broadcast_in_dim3A_99 = vector.broadcast %jit3A_98 : i32 to vector<1x2048xi32>
    %select_n3A_100 = arith.select %eq3A_97, %iota3A, %broadcast_in_dim3A_99 : vector<1x2048xi1>, vector<1x2048xi32>
    %reduce_min3A_101 = arith.constant dense<2147483647> : vector<1xi32>
    %reduce_min3A_102 = vector.multi_reduction <minsi>, %select_n3A_100, %reduce_min3A_101 [1] : vector<1x2048xi32> to vector<1xi32>
    %broadcast_in_dim3A_103 = vector.shape_cast %reduce_min3A_102 : vector<1xi32> to vector<1x1xi32>
    %sqrt3A_104 = math.sqrt %broadcast_in_dim3A_95 : vector<1x1xf32>
    %gt3A_105 = vector.broadcast %broadcast_in_dim3A_95 : vector<1x1xf32> to vector<1x2048xf32>
    %gt3A_106 = arith.cmpf ogt, %select_n3A_27, %gt3A_105 : vector<1x2048xf32>
    %jit3A_107 = arith.constant 0x7F800000 : f32
    %broadcast_in_dim3A_108 = vector.broadcast %jit3A_107 : f32 to vector<1x2048xf32>
    %select_n3A_109 = arith.select %gt3A_106, %select_n3A_27, %broadcast_in_dim3A_108 : vector<1x2048xi1>, vector<1x2048xf32>
    %reduce_min3A_110 = arith.constant dense<0x7F800000> : vector<1xf32>
    %reduce_min3A_111 = vector.multi_reduction <minimumf>, %select_n3A_109, %reduce_min3A_110 [1] : vector<1x2048xf32> to vector<1xf32>
    %broadcast_in_dim3A_112 = vector.shape_cast %reduce_min3A_111 : vector<1xf32> to vector<1x1xf32>
    %eq3A_113 = vector.broadcast %broadcast_in_dim3A_112 : vector<1x1xf32> to vector<1x2048xf32>
    %eq3A_114 = arith.cmpf oeq, %select_n3A_27, %eq3A_113 : vector<1x2048xf32>
    %jit3A_115 = arith.constant 2048 : i32
    %broadcast_in_dim3A_116 = vector.broadcast %jit3A_115 : i32 to vector<1x2048xi32>
    %select_n3A_117 = arith.select %eq3A_114, %iota3A, %broadcast_in_dim3A_116 : vector<1x2048xi1>, vector<1x2048xi32>
    %reduce_min3A_118 = arith.constant dense<2147483647> : vector<1xi32>
    %reduce_min3A_119 = vector.multi_reduction <minsi>, %select_n3A_117, %reduce_min3A_118 [1] : vector<1x2048xi32> to vector<1xi32>
    %broadcast_in_dim3A_120 = vector.shape_cast %reduce_min3A_119 : vector<1xi32> to vector<1x1xi32>
    %sqrt3A_121 = math.sqrt %broadcast_in_dim3A_112 : vector<1x1xf32>
    %gt3A_122 = vector.broadcast %broadcast_in_dim3A_112 : vector<1x1xf32> to vector<1x2048xf32>
    %gt3A_123 = arith.cmpf ogt, %select_n3A_27, %gt3A_122 : vector<1x2048xf32>
    %jit3A_124 = arith.constant 0x7F800000 : f32
    %broadcast_in_dim3A_125 = vector.broadcast %jit3A_124 : f32 to vector<1x2048xf32>
    %select_n3A_126 = arith.select %gt3A_123, %select_n3A_27, %broadcast_in_dim3A_125 : vector<1x2048xi1>, vector<1x2048xf32>
    %reduce_min3A_127 = arith.constant dense<0x7F800000> : vector<1xf32>
    %reduce_min3A_128 = vector.multi_reduction <minimumf>, %select_n3A_126, %reduce_min3A_127 [1] : vector<1x2048xf32> to vector<1xf32>
    %broadcast_in_dim3A_129 = vector.shape_cast %reduce_min3A_128 : vector<1xf32> to vector<1x1xf32>
    %eq3A_130 = vector.broadcast %broadcast_in_dim3A_129 : vector<1x1xf32> to vector<1x2048xf32>
    %eq3A_131 = arith.cmpf oeq, %select_n3A_27, %eq3A_130 : vector<1x2048xf32>
    %jit3A_132 = arith.constant 2048 : i32
    %broadcast_in_dim3A_133 = vector.broadcast %jit3A_132 : i32 to vector<1x2048xi32>
    %select_n3A_134 = arith.select %eq3A_131, %iota3A, %broadcast_in_dim3A_133 : vector<1x2048xi1>, vector<1x2048xi32>
    %reduce_min3A_135 = arith.constant dense<2147483647> : vector<1xi32>
    %reduce_min3A_136 = vector.multi_reduction <minsi>, %select_n3A_134, %reduce_min3A_135 [1] : vector<1x2048xi32> to vector<1xi32>
    %broadcast_in_dim3A_137 = vector.shape_cast %reduce_min3A_136 : vector<1xi32> to vector<1x1xi32>
    %sqrt3A_138 = math.sqrt %broadcast_in_dim3A_129 : vector<1x1xf32>
    %gt3A_139 = vector.broadcast %broadcast_in_dim3A_129 : vector<1x1xf32> to vector<1x2048xf32>
    %gt3A_140 = arith.cmpf ogt, %select_n3A_27, %gt3A_139 : vector<1x2048xf32>
    %jit3A_141 = arith.constant 0x7F800000 : f32
    %broadcast_in_dim3A_142 = vector.broadcast %jit3A_141 : f32 to vector<1x2048xf32>
    %select_n3A_143 = arith.select %gt3A_140, %select_n3A_27, %broadcast_in_dim3A_142 : vector<1x2048xi1>, vector<1x2048xf32>
    %reduce_min3A_144 = arith.constant dense<0x7F800000> : vector<1xf32>
    %reduce_min3A_145 = vector.multi_reduction <minimumf>, %select_n3A_143, %reduce_min3A_144 [1] : vector<1x2048xf32> to vector<1xf32>
    %broadcast_in_dim3A_146 = vector.shape_cast %reduce_min3A_145 : vector<1xf32> to vector<1x1xf32>
    %eq3A_147 = vector.broadcast %broadcast_in_dim3A_146 : vector<1x1xf32> to vector<1x2048xf32>
    %eq3A_148 = arith.cmpf oeq, %select_n3A_27, %eq3A_147 : vector<1x2048xf32>
    %jit3A_149 = arith.constant 2048 : i32
    %broadcast_in_dim3A_150 = vector.broadcast %jit3A_149 : i32 to vector<1x2048xi32>
    %select_n3A_151 = arith.select %eq3A_148, %iota3A, %broadcast_in_dim3A_150 : vector<1x2048xi1>, vector<1x2048xi32>
    %reduce_min3A_152 = arith.constant dense<2147483647> : vector<1xi32>
    %reduce_min3A_153 = vector.multi_reduction <minsi>, %select_n3A_151, %reduce_min3A_152 [1] : vector<1x2048xi32> to vector<1xi32>
    %broadcast_in_dim3A_154 = vector.shape_cast %reduce_min3A_153 : vector<1xi32> to vector<1x1xi32>
    %sqrt3A_155 = math.sqrt %broadcast_in_dim3A_146 : vector<1x1xf32>
    %gt3A_156 = vector.broadcast %broadcast_in_dim3A_146 : vector<1x1xf32> to vector<1x2048xf32>
    %gt3A_157 = arith.cmpf ogt, %select_n3A_27, %gt3A_156 : vector<1x2048xf32>
    %jit3A_158 = arith.constant 0x7F800000 : f32
    %broadcast_in_dim3A_159 = vector.broadcast %jit3A_158 : f32 to vector<1x2048xf32>
    %select_n3A_160 = arith.select %gt3A_157, %select_n3A_27, %broadcast_in_dim3A_159 : vector<1x2048xi1>, vector<1x2048xf32>
    %reduce_min3A_161 = arith.constant dense<0x7F800000> : vector<1xf32>
    %reduce_min3A_162 = vector.multi_reduction <minimumf>, %select_n3A_160, %reduce_min3A_161 [1] : vector<1x2048xf32> to vector<1xf32>
    %broadcast_in_dim3A_163 = vector.shape_cast %reduce_min3A_162 : vector<1xf32> to vector<1x1xf32>
    %eq3A_164 = vector.broadcast %broadcast_in_dim3A_163 : vector<1x1xf32> to vector<1x2048xf32>
    %eq3A_165 = arith.cmpf oeq, %select_n3A_27, %eq3A_164 : vector<1x2048xf32>
    %jit3A_166 = arith.constant 2048 : i32
    %broadcast_in_dim3A_167 = vector.broadcast %jit3A_166 : i32 to vector<1x2048xi32>
    %select_n3A_168 = arith.select %eq3A_165, %iota3A, %broadcast_in_dim3A_167 : vector<1x2048xi1>, vector<1x2048xi32>
    %reduce_min3A_169 = arith.constant dense<2147483647> : vector<1xi32>
    %reduce_min3A_170 = vector.multi_reduction <minsi>, %select_n3A_168, %reduce_min3A_169 [1] : vector<1x2048xi32> to vector<1xi32>
    %broadcast_in_dim3A_171 = vector.shape_cast %reduce_min3A_170 : vector<1xi32> to vector<1x1xi32>
    %sqrt3A_172 = math.sqrt %broadcast_in_dim3A_163 : vector<1x1xf32>
    %gt3A_173 = vector.broadcast %broadcast_in_dim3A_163 : vector<1x1xf32> to vector<1x2048xf32>
    %gt3A_174 = arith.cmpf ogt, %select_n3A_27, %gt3A_173 : vector<1x2048xf32>
    %jit3A_175 = arith.constant 0x7F800000 : f32
    %broadcast_in_dim3A_176 = vector.broadcast %jit3A_175 : f32 to vector<1x2048xf32>
    %select_n3A_177 = arith.select %gt3A_174, %select_n3A_27, %broadcast_in_dim3A_176 : vector<1x2048xi1>, vector<1x2048xf32>
    %reduce_min3A_178 = arith.constant dense<0x7F800000> : vector<1xf32>
    %reduce_min3A_179 = vector.multi_reduction <minimumf>, %select_n3A_177, %reduce_min3A_178 [1] : vector<1x2048xf32> to vector<1xf32>
    %broadcast_in_dim3A_180 = vector.shape_cast %reduce_min3A_179 : vector<1xf32> to vector<1x1xf32>
    %eq3A_181 = vector.broadcast %broadcast_in_dim3A_180 : vector<1x1xf32> to vector<1x2048xf32>
    %eq3A_182 = arith.cmpf oeq, %select_n3A_27, %eq3A_181 : vector<1x2048xf32>
    %jit3A_183 = arith.constant 2048 : i32
    %broadcast_in_dim3A_184 = vector.broadcast %jit3A_183 : i32 to vector<1x2048xi32>
    %select_n3A_185 = arith.select %eq3A_182, %iota3A, %broadcast_in_dim3A_184 : vector<1x2048xi1>, vector<1x2048xi32>
    %reduce_min3A_186 = arith.constant dense<2147483647> : vector<1xi32>
    %reduce_min3A_187 = vector.multi_reduction <minsi>, %select_n3A_185, %reduce_min3A_186 [1] : vector<1x2048xi32> to vector<1xi32>
    %broadcast_in_dim3A_188 = vector.shape_cast %reduce_min3A_187 : vector<1xi32> to vector<1x1xi32>
    %sqrt3A_189 = math.sqrt %broadcast_in_dim3A_180 : vector<1x1xf32>
    %gt3A_190 = vector.broadcast %broadcast_in_dim3A_180 : vector<1x1xf32> to vector<1x2048xf32>
    %gt3A_191 = arith.cmpf ogt, %select_n3A_27, %gt3A_190 : vector<1x2048xf32>
    %jit3A_192 = arith.constant 0x7F800000 : f32
    %broadcast_in_dim3A_193 = vector.broadcast %jit3A_192 : f32 to vector<1x2048xf32>
    %select_n3A_194 = arith.select %gt3A_191, %select_n3A_27, %broadcast_in_dim3A_193 : vector<1x2048xi1>, vector<1x2048xf32>
    %reduce_min3A_195 = arith.constant dense<0x7F800000> : vector<1xf32>
    %reduce_min3A_196 = vector.multi_reduction <minimumf>, %select_n3A_194, %reduce_min3A_195 [1] : vector<1x2048xf32> to vector<1xf32>
    %broadcast_in_dim3A_197 = vector.shape_cast %reduce_min3A_196 : vector<1xf32> to vector<1x1xf32>
    %eq3A_198 = vector.broadcast %broadcast_in_dim3A_197 : vector<1x1xf32> to vector<1x2048xf32>
    %eq3A_199 = arith.cmpf oeq, %select_n3A_27, %eq3A_198 : vector<1x2048xf32>
    %jit3A_200 = arith.constant 2048 : i32
    %broadcast_in_dim3A_201 = vector.broadcast %jit3A_200 : i32 to vector<1x2048xi32>
    %select_n3A_202 = arith.select %eq3A_199, %iota3A, %broadcast_in_dim3A_201 : vector<1x2048xi1>, vector<1x2048xi32>
    %reduce_min3A_203 = arith.constant dense<2147483647> : vector<1xi32>
    %reduce_min3A_204 = vector.multi_reduction <minsi>, %select_n3A_202, %reduce_min3A_203 [1] : vector<1x2048xi32> to vector<1xi32>
    %broadcast_in_dim3A_205 = vector.shape_cast %reduce_min3A_204 : vector<1xi32> to vector<1x1xi32>
    %sqrt3A_206 = math.sqrt %broadcast_in_dim3A_197 : vector<1x1xf32>
    %gt3A_207 = vector.broadcast %broadcast_in_dim3A_197 : vector<1x1xf32> to vector<1x2048xf32>
    %gt3A_208 = arith.cmpf ogt, %select_n3A_27, %gt3A_207 : vector<1x2048xf32>
    %jit3A_209 = arith.constant 0x7F800000 : f32
    %broadcast_in_dim3A_210 = vector.broadcast %jit3A_209 : f32 to vector<1x2048xf32>
    %select_n3A_211 = arith.select %gt3A_208, %select_n3A_27, %broadcast_in_dim3A_210 : vector<1x2048xi1>, vector<1x2048xf32>
    %reduce_min3A_212 = arith.constant dense<0x7F800000> : vector<1xf32>
    %reduce_min3A_213 = vector.multi_reduction <minimumf>, %select_n3A_211, %reduce_min3A_212 [1] : vector<1x2048xf32> to vector<1xf32>
    %broadcast_in_dim3A_214 = vector.shape_cast %reduce_min3A_213 : vector<1xf32> to vector<1x1xf32>
    %eq3A_215 = vector.broadcast %broadcast_in_dim3A_214 : vector<1x1xf32> to vector<1x2048xf32>
    %eq3A_216 = arith.cmpf oeq, %select_n3A_27, %eq3A_215 : vector<1x2048xf32>
    %jit3A_217 = arith.constant 2048 : i32
    %broadcast_in_dim3A_218 = vector.broadcast %jit3A_217 : i32 to vector<1x2048xi32>
    %select_n3A_219 = arith.select %eq3A_216, %iota3A, %broadcast_in_dim3A_218 : vector<1x2048xi1>, vector<1x2048xi32>
    %reduce_min3A_220 = arith.constant dense<2147483647> : vector<1xi32>
    %reduce_min3A_221 = vector.multi_reduction <minsi>, %select_n3A_219, %reduce_min3A_220 [1] : vector<1x2048xi32> to vector<1xi32>
    %broadcast_in_dim3A_222 = vector.shape_cast %reduce_min3A_221 : vector<1xi32> to vector<1x1xi32>
    %sqrt3A_223 = math.sqrt %broadcast_in_dim3A_214 : vector<1x1xf32>
    %gt3A_224 = vector.broadcast %broadcast_in_dim3A_214 : vector<1x1xf32> to vector<1x2048xf32>
    %gt3A_225 = arith.cmpf ogt, %select_n3A_27, %gt3A_224 : vector<1x2048xf32>
    %jit3A_226 = arith.constant 0x7F800000 : f32
    %broadcast_in_dim3A_227 = vector.broadcast %jit3A_226 : f32 to vector<1x2048xf32>
    %select_n3A_228 = arith.select %gt3A_225, %select_n3A_27, %broadcast_in_dim3A_227 : vector<1x2048xi1>, vector<1x2048xf32>
    %reduce_min3A_229 = arith.constant dense<0x7F800000> : vector<1xf32>
    %reduce_min3A_230 = vector.multi_reduction <minimumf>, %select_n3A_228, %reduce_min3A_229 [1] : vector<1x2048xf32> to vector<1xf32>
    %broadcast_in_dim3A_231 = vector.shape_cast %reduce_min3A_230 : vector<1xf32> to vector<1x1xf32>
    %eq3A_232 = vector.broadcast %broadcast_in_dim3A_231 : vector<1x1xf32> to vector<1x2048xf32>
    %eq3A_233 = arith.cmpf oeq, %select_n3A_27, %eq3A_232 : vector<1x2048xf32>
    %jit3A_234 = arith.constant 2048 : i32
    %broadcast_in_dim3A_235 = vector.broadcast %jit3A_234 : i32 to vector<1x2048xi32>
    %select_n3A_236 = arith.select %eq3A_233, %iota3A, %broadcast_in_dim3A_235 : vector<1x2048xi1>, vector<1x2048xi32>
    %reduce_min3A_237 = arith.constant dense<2147483647> : vector<1xi32>
    %reduce_min3A_238 = vector.multi_reduction <minsi>, %select_n3A_236, %reduce_min3A_237 [1] : vector<1x2048xi32> to vector<1xi32>
    %broadcast_in_dim3A_239 = vector.shape_cast %reduce_min3A_238 : vector<1xi32> to vector<1x1xi32>
    %sqrt3A_240 = math.sqrt %broadcast_in_dim3A_231 : vector<1x1xf32>
    %gt3A_241 = vector.broadcast %broadcast_in_dim3A_231 : vector<1x1xf32> to vector<1x2048xf32>
    %gt3A_242 = arith.cmpf ogt, %select_n3A_27, %gt3A_241 : vector<1x2048xf32>
    %jit3A_243 = arith.constant 0x7F800000 : f32
    %broadcast_in_dim3A_244 = vector.broadcast %jit3A_243 : f32 to vector<1x2048xf32>
    %select_n3A_245 = arith.select %gt3A_242, %select_n3A_27, %broadcast_in_dim3A_244 : vector<1x2048xi1>, vector<1x2048xf32>
    %reduce_min3A_246 = arith.constant dense<0x7F800000> : vector<1xf32>
    %reduce_min3A_247 = vector.multi_reduction <minimumf>, %select_n3A_245, %reduce_min3A_246 [1] : vector<1x2048xf32> to vector<1xf32>
    %broadcast_in_dim3A_248 = vector.shape_cast %reduce_min3A_247 : vector<1xf32> to vector<1x1xf32>
    %eq3A_249 = vector.broadcast %broadcast_in_dim3A_248 : vector<1x1xf32> to vector<1x2048xf32>
    %eq3A_250 = arith.cmpf oeq, %select_n3A_27, %eq3A_249 : vector<1x2048xf32>
    %jit3A_251 = arith.constant 2048 : i32
    %broadcast_in_dim3A_252 = vector.broadcast %jit3A_251 : i32 to vector<1x2048xi32>
    %select_n3A_253 = arith.select %eq3A_250, %iota3A, %broadcast_in_dim3A_252 : vector<1x2048xi1>, vector<1x2048xi32>
    %reduce_min3A_254 = arith.constant dense<2147483647> : vector<1xi32>
    %reduce_min3A_255 = vector.multi_reduction <minsi>, %select_n3A_253, %reduce_min3A_254 [1] : vector<1x2048xi32> to vector<1xi32>
    %broadcast_in_dim3A_256 = vector.shape_cast %reduce_min3A_255 : vector<1xi32> to vector<1x1xi32>
    %sqrt3A_257 = math.sqrt %broadcast_in_dim3A_248 : vector<1x1xf32>
    %gt3A_258 = vector.broadcast %broadcast_in_dim3A_248 : vector<1x1xf32> to vector<1x2048xf32>
    %gt3A_259 = arith.cmpf ogt, %select_n3A_27, %gt3A_258 : vector<1x2048xf32>
    %jit3A_260 = arith.constant 0x7F800000 : f32
    %broadcast_in_dim3A_261 = vector.broadcast %jit3A_260 : f32 to vector<1x2048xf32>
    %select_n3A_262 = arith.select %gt3A_259, %select_n3A_27, %broadcast_in_dim3A_261 : vector<1x2048xi1>, vector<1x2048xf32>
    %reduce_min3A_263 = arith.constant dense<0x7F800000> : vector<1xf32>
    %reduce_min3A_264 = vector.multi_reduction <minimumf>, %select_n3A_262, %reduce_min3A_263 [1] : vector<1x2048xf32> to vector<1xf32>
    %broadcast_in_dim3A_265 = vector.shape_cast %reduce_min3A_264 : vector<1xf32> to vector<1x1xf32>
    %eq3A_266 = vector.broadcast %broadcast_in_dim3A_265 : vector<1x1xf32> to vector<1x2048xf32>
    %eq3A_267 = arith.cmpf oeq, %select_n3A_27, %eq3A_266 : vector<1x2048xf32>
    %jit3A_268 = arith.constant 2048 : i32
    %broadcast_in_dim3A_269 = vector.broadcast %jit3A_268 : i32 to vector<1x2048xi32>
    %select_n3A_270 = arith.select %eq3A_267, %iota3A, %broadcast_in_dim3A_269 : vector<1x2048xi1>, vector<1x2048xi32>
    %reduce_min3A_271 = arith.constant dense<2147483647> : vector<1xi32>
    %reduce_min3A_272 = vector.multi_reduction <minsi>, %select_n3A_270, %reduce_min3A_271 [1] : vector<1x2048xi32> to vector<1xi32>
    %broadcast_in_dim3A_273 = vector.shape_cast %reduce_min3A_272 : vector<1xi32> to vector<1x1xi32>
    %sqrt3A_274 = math.sqrt %broadcast_in_dim3A_265 : vector<1x1xf32>
    %gt3A_275 = vector.broadcast %broadcast_in_dim3A_265 : vector<1x1xf32> to vector<1x2048xf32>
    %gt3A_276 = arith.cmpf ogt, %select_n3A_27, %gt3A_275 : vector<1x2048xf32>
    %jit3A_277 = arith.constant 0x7F800000 : f32
    %broadcast_in_dim3A_278 = vector.broadcast %jit3A_277 : f32 to vector<1x2048xf32>
    %select_n3A_279 = arith.select %gt3A_276, %select_n3A_27, %broadcast_in_dim3A_278 : vector<1x2048xi1>, vector<1x2048xf32>
    %reduce_min3A_280 = arith.constant dense<0x7F800000> : vector<1xf32>
    %reduce_min3A_281 = vector.multi_reduction <minimumf>, %select_n3A_279, %reduce_min3A_280 [1] : vector<1x2048xf32> to vector<1xf32>
    %broadcast_in_dim3A_282 = vector.shape_cast %reduce_min3A_281 : vector<1xf32> to vector<1x1xf32>
    %eq3A_283 = vector.broadcast %broadcast_in_dim3A_282 : vector<1x1xf32> to vector<1x2048xf32>
    %eq3A_284 = arith.cmpf oeq, %select_n3A_27, %eq3A_283 : vector<1x2048xf32>
    %jit3A_285 = arith.constant 2048 : i32
    %broadcast_in_dim3A_286 = vector.broadcast %jit3A_285 : i32 to vector<1x2048xi32>
    %select_n3A_287 = arith.select %eq3A_284, %iota3A, %broadcast_in_dim3A_286 : vector<1x2048xi1>, vector<1x2048xi32>
    %reduce_min3A_288 = arith.constant dense<2147483647> : vector<1xi32>
    %reduce_min3A_289 = vector.multi_reduction <minsi>, %select_n3A_287, %reduce_min3A_288 [1] : vector<1x2048xi32> to vector<1xi32>
    %broadcast_in_dim3A_290 = vector.shape_cast %reduce_min3A_289 : vector<1xi32> to vector<1x1xi32>
    %sqrt3A_291 = math.sqrt %broadcast_in_dim3A_282 : vector<1x1xf32>
    %concatenate3A = tpu.concatenate %broadcast_in_dim3A_37, %broadcast_in_dim3A_52, %broadcast_in_dim3A_69, %broadcast_in_dim3A_86, %broadcast_in_dim3A_103, %broadcast_in_dim3A_120, %broadcast_in_dim3A_137, %broadcast_in_dim3A_154, %broadcast_in_dim3A_171, %broadcast_in_dim3A_188, %broadcast_in_dim3A_205, %broadcast_in_dim3A_222, %broadcast_in_dim3A_239, %broadcast_in_dim3A_256, %broadcast_in_dim3A_273, %broadcast_in_dim3A_290 in 1 : vector<1x1xi32>, vector<1x1xi32>, vector<1x1xi32>, vector<1x1xi32>, vector<1x1xi32>, vector<1x1xi32>, vector<1x1xi32>, vector<1x1xi32>, vector<1x1xi32>, vector<1x1xi32>, vector<1x1xi32>, vector<1x1xi32>, vector<1x1xi32>, vector<1x1xi32>, vector<1x1xi32>, vector<1x1xi32> -> vector<1x16xi32>
    %concatenate3A_292 = tpu.concatenate %sqrt3A, %sqrt3A_53, %sqrt3A_70, %sqrt3A_87, %sqrt3A_104, %sqrt3A_121, %sqrt3A_138, %sqrt3A_155, %sqrt3A_172, %sqrt3A_189, %sqrt3A_206, %sqrt3A_223, %sqrt3A_240, %sqrt3A_257, %sqrt3A_274, %sqrt3A_291 in 1 : vector<1x1xf32>, vector<1x1xf32>, vector<1x1xf32>, vector<1x1xf32>, vector<1x1xf32>, vector<1x1xf32>, vector<1x1xf32>, vector<1x1xf32>, vector<1x1xf32>, vector<1x1xf32>, vector<1x1xf32>, vector<1x1xf32>, vector<1x1xf32>, vector<1x1xf32>, vector<1x1xf32>, vector<1x1xf32> -> vector<1x16xf32>
    %swap3A = arith.constant 0 : index
    %swap3A_293 = arith.constant 0 : index
    %swap3A_294 = arith.constant 0 : index
    %swap3A_295 = vector.load %arg4[%swap3A, %swap3A_293, %swap3A_294] : memref<1x1x16xi32, #tpu.memory_space<vmem>>, vector<1x1x16xi32>
    %swap3A_296 = vector.shape_cast %swap3A_295 : vector<1x1x16xi32> to vector<1x16xi32>
    %swap3A_297 = vector.shape_cast %concatenate3A : vector<1x16xi32> to vector<1x1x16xi32>
    tpu.vector_store %arg4[%swap3A, %swap3A_293, %swap3A_294], %swap3A_297 {strides = array<i32>} : memref<1x1x16xi32, #tpu.memory_space<vmem>>, vector<1x1x16xi32>,
    %swap3A_298 = arith.constant 0 : index
    %swap3A_299 = arith.constant 0 : index
    %swap3A_300 = arith.constant 0 : index
    %swap3A_301 = vector.load %arg5[%swap3A_298, %swap3A_299, %swap3A_300] : memref<1x1x16xf32, #tpu.memory_space<vmem>>, vector<1x1x16xf32>
    %swap3A_302 = vector.shape_cast %swap3A_301 : vector<1x1x16xf32> to vector<1x16xf32>
    %swap3A_303 = vector.shape_cast %concatenate3A_292 : vector<1x16xf32> to vector<1x1x16xf32>
    tpu.vector_store %arg5[%swap3A_298, %swap3A_299, %swap3A_300], %swap3A_303 {strides = array<i32>} : memref<1x1x16xf32, #tpu.memory_space<vmem>>, vector<1x1x16xf32>,
    %iota3A_304 = tpu.iota {dimensions = array<i32: 0>} : vector<2048x16xi32>
    %eq3A_305 = vector.broadcast %concatenate3A : vector<1x16xi32> to vector<2048x16xi32>
    %eq3A_306 = arith.cmpi eq, %iota3A_304, %eq3A_305 : vector<2048x16xi32>
    %convert_element_type3A = arith.extui %eq3A_306 : vector<2048x16xi1> to vector<2048x16xi32>
    %convert_element_type3A_307 = arith.sitofp %convert_element_type3A : vector<2048x16xi32> to vector<2048x16xf32>
    %dot_general3A = arith.constant dense<0.000000e+00> : vector<16x2xf32>
    %dot_general3A_308 = tpu.matmul %convert_element_type3A_307, %get3A_5, %dot_general3A {dimension_numbers = #tpu.dot_dimension_numbers<[0], [0], [1], [1], [0, 1, 1, 1], [], []>, precision = #tpu.contract_precision<fp32>, transpose_lhs_hint = false} : vector<2048x16xf32>, vector<2048x2xf32>, vector<16x2xf32> -> vector<16x2xf32>
    %iota3A_309 = tpu.iota {dimensions = array<i32: 0>} : vector<2048x1xi32>
    %convert_element_type3A_310 = arith.sitofp %iota3A_309 : vector<2048x1xi32> to vector<2048x1xf32>
    %dot_general3A_311 = arith.constant dense<0.000000e+00> : vector<16x1xf32>
    %dot_general3A_312 = tpu.matmul %convert_element_type3A_307, %convert_element_type3A_310, %dot_general3A_311 {dimension_numbers = #tpu.dot_dimension_numbers<[0], [0], [1], [1], [0, 1, 1, 1], [], []>, precision = #tpu.contract_precision<fp32>, transpose_lhs_hint = false} : vector<2048x16xf32>, vector<2048x1xf32>, vector<16x1xf32> -> vector<16x1xf32>
    %convert_element_type3A_313 = arith.fptosi %dot_general3A_312 : vector<16x1xf32> to vector<16x1xi32>
    %slice3A_314 = vector.extract_strided_slice %dot_general3A_308 {offsets = [0, 0], sizes = [16, 1], strides = [1, 1]} : vector<16x2xf32> to vector<16x1xf32>
    %slice3A_315 = vector.extract_strided_slice %dot_general3A_308 {offsets = [0, 1], sizes = [16, 1], strides = [1, 1]} : vector<16x2xf32> to vector<16x1xf32>
    %get3A_316 = arith.constant 0 : index
    %get3A_317 = arith.constant 0 : index
    %get3A_318 = arith.constant 0 : index
    %get3A_319 = vector.load %arg3[%get3A_316, %get3A_317, %get3A_318] : memref<1x2x2048xf32, #tpu.memory_space<vmem>>, vector<1x1x2048xf32>
    %get3A_320 = vector.shape_cast %get3A_319 : vector<1x1x2048xf32> to vector<1x2048xf32>
    %get3A_321 = arith.constant 0 : index
    %get3A_322 = arith.constant 1 : index
    %get3A_323 = arith.constant 0 : index
    %get3A_324 = vector.load %arg3[%get3A_321, %get3A_322, %get3A_323] : memref<1x2x2048xf32, #tpu.memory_space<vmem>>, vector<1x1x2048xf32>
    %get3A_325 = vector.shape_cast %get3A_324 : vector<1x1x2048xf32> to vector<1x2048xf32>
    %sub3A_326 = vector.broadcast %slice3A_314 : vector<16x1xf32> to vector<16x2048xf32>
    %sub3A_327 = vector.broadcast %get3A_320 : vector<1x2048xf32> to vector<16x2048xf32>
    %sub3A_328 = arith.subf %sub3A_326, %sub3A_327 : vector<16x2048xf32>
    %sub3A_329 = vector.broadcast %slice3A_315 : vector<16x1xf32> to vector<16x2048xf32>
    %sub3A_330 = vector.broadcast %get3A_325 : vector<1x2048xf32> to vector<16x2048xf32>
    %sub3A_331 = arith.subf %sub3A_329, %sub3A_330 : vector<16x2048xf32>
    %mul3A_332 = arith.mulf %sub3A_328, %sub3A_328 : vector<16x2048xf32>
    %mul3A_333 = arith.mulf %sub3A_331, %sub3A_331 : vector<16x2048xf32>
    %add3A_334 = arith.addf %mul3A_332, %mul3A_333 : vector<16x2048xf32>
    %iota3A_335 = tpu.iota {dimensions = array<i32: 1>} : vector<16x2048xi32>
    %eq3A_336 = vector.broadcast %convert_element_type3A_313 : vector<16x1xi32> to vector<16x2048xi32>
    %eq3A_337 = arith.cmpi eq, %iota3A_335, %eq3A_336 : vector<16x2048xi32>
    %add3A_338 = arith.constant 1.000000e+10 : f32
    %add3A_339 = vector.broadcast %add3A_338 : f32 to vector<16x2048xf32>
    %add3A_340 = arith.addf %add3A_334, %add3A_339 : vector<16x2048xf32>
    %select_n3A_341 = arith.select %eq3A_337, %add3A_340, %add3A_334 : vector<16x2048xi1>, vector<16x2048xf32>
    %lt3A_342 = vector.broadcast %get3A_0 : i32 to vector<16x2048xi32>
    %lt3A_343 = arith.cmpi slt, %iota3A_335, %lt3A_342 : vector<16x2048xi32>
    %jit3A_344 = arith.constant 0x7F800000 : f32
    %broadcast_in_dim3A_345 = vector.broadcast %jit3A_344 : f32 to vector<16x2048xf32>
    %select_n3A_346 = arith.select %lt3A_343, %select_n3A_341, %broadcast_in_dim3A_345 : vector<16x2048xi1>, vector<16x2048xf32>
    %reduce_min3A_347 = arith.constant dense<0x7F800000> : vector<16xf32>
    %reduce_min3A_348 = vector.multi_reduction <minimumf>, %select_n3A_346, %reduce_min3A_347 [1] : vector<16x2048xf32> to vector<16xf32>
    %broadcast_in_dim3A_349 = vector.shape_cast %reduce_min3A_348 : vector<16xf32> to vector<16x1xf32>
    %eq3A_350 = vector.broadcast %broadcast_in_dim3A_349 : vector<16x1xf32> to vector<16x2048xf32>
    %eq3A_351 = arith.cmpf oeq, %select_n3A_346, %eq3A_350 : vector<16x2048xf32>
    %jit3A_352 = arith.constant 2048 : i32
    %broadcast_in_dim3A_353 = vector.broadcast %jit3A_352 : i32 to vector<16x2048xi32>
    %select_n3A_354 = arith.select %eq3A_351, %iota3A_335, %broadcast_in_dim3A_353 : vector<16x2048xi1>, vector<16x2048xi32>
    %reduce_min3A_355 = arith.constant dense<2147483647> : vector<16xi32>
    %reduce_min3A_356 = vector.multi_reduction <minsi>, %select_n3A_354, %reduce_min3A_355 [1] : vector<16x2048xi32> to vector<16xi32>
    %broadcast_in_dim3A_357 = vector.shape_cast %reduce_min3A_356 : vector<16xi32> to vector<16x1xi32>
    %sqrt3A_358 = math.sqrt %broadcast_in_dim3A_349 : vector<16x1xf32>
    %gt3A_359 = vector.broadcast %broadcast_in_dim3A_349 : vector<16x1xf32> to vector<16x2048xf32>
    %gt3A_360 = arith.cmpf ogt, %select_n3A_346, %gt3A_359 : vector<16x2048xf32>
    %jit3A_361 = arith.constant 0x7F800000 : f32
    %broadcast_in_dim3A_362 = vector.broadcast %jit3A_361 : f32 to vector<16x2048xf32>
    %select_n3A_363 = arith.select %gt3A_360, %select_n3A_346, %broadcast_in_dim3A_362 : vector<16x2048xi1>, vector<16x2048xf32>
    %reduce_min3A_364 = arith.constant dense<0x7F800000> : vector<16xf32>
    %reduce_min3A_365 = vector.multi_reduction <minimumf>, %select_n3A_363, %reduce_min3A_364 [1] : vector<16x2048xf32> to vector<16xf32>
    %broadcast_in_dim3A_366 = vector.shape_cast %reduce_min3A_365 : vector<16xf32> to vector<16x1xf32>
    %eq3A_367 = vector.broadcast %broadcast_in_dim3A_366 : vector<16x1xf32> to vector<16x2048xf32>
    %eq3A_368 = arith.cmpf oeq, %select_n3A_346, %eq3A_367 : vector<16x2048xf32>
    %jit3A_369 = arith.constant 2048 : i32
    %broadcast_in_dim3A_370 = vector.broadcast %jit3A_369 : i32 to vector<16x2048xi32>
    %select_n3A_371 = arith.select %eq3A_368, %iota3A_335, %broadcast_in_dim3A_370 : vector<16x2048xi1>, vector<16x2048xi32>
    %reduce_min3A_372 = arith.constant dense<2147483647> : vector<16xi32>
    %reduce_min3A_373 = vector.multi_reduction <minsi>, %select_n3A_371, %reduce_min3A_372 [1] : vector<16x2048xi32> to vector<16xi32>
    %broadcast_in_dim3A_374 = vector.shape_cast %reduce_min3A_373 : vector<16xi32> to vector<16x1xi32>
    %sqrt3A_375 = math.sqrt %broadcast_in_dim3A_366 : vector<16x1xf32>
    %gt3A_376 = vector.broadcast %broadcast_in_dim3A_366 : vector<16x1xf32> to vector<16x2048xf32>
    %gt3A_377 = arith.cmpf ogt, %select_n3A_346, %gt3A_376 : vector<16x2048xf32>
    %jit3A_378 = arith.constant 0x7F800000 : f32
    %broadcast_in_dim3A_379 = vector.broadcast %jit3A_378 : f32 to vector<16x2048xf32>
    %select_n3A_380 = arith.select %gt3A_377, %select_n3A_346, %broadcast_in_dim3A_379 : vector<16x2048xi1>, vector<16x2048xf32>
    %reduce_min3A_381 = arith.constant dense<0x7F800000> : vector<16xf32>
    %reduce_min3A_382 = vector.multi_reduction <minimumf>, %select_n3A_380, %reduce_min3A_381 [1] : vector<16x2048xf32> to vector<16xf32>
    %broadcast_in_dim3A_383 = vector.shape_cast %reduce_min3A_382 : vector<16xf32> to vector<16x1xf32>
    %eq3A_384 = vector.broadcast %broadcast_in_dim3A_383 : vector<16x1xf32> to vector<16x2048xf32>
    %eq3A_385 = arith.cmpf oeq, %select_n3A_346, %eq3A_384 : vector<16x2048xf32>
    %jit3A_386 = arith.constant 2048 : i32
    %broadcast_in_dim3A_387 = vector.broadcast %jit3A_386 : i32 to vector<16x2048xi32>
    %select_n3A_388 = arith.select %eq3A_385, %iota3A_335, %broadcast_in_dim3A_387 : vector<16x2048xi1>, vector<16x2048xi32>
    %reduce_min3A_389 = arith.constant dense<2147483647> : vector<16xi32>
    %reduce_min3A_390 = vector.multi_reduction <minsi>, %select_n3A_388, %reduce_min3A_389 [1] : vector<16x2048xi32> to vector<16xi32>
    %broadcast_in_dim3A_391 = vector.shape_cast %reduce_min3A_390 : vector<16xi32> to vector<16x1xi32>
    %sqrt3A_392 = math.sqrt %broadcast_in_dim3A_383 : vector<16x1xf32>
    %gt3A_393 = vector.broadcast %broadcast_in_dim3A_383 : vector<16x1xf32> to vector<16x2048xf32>
    %gt3A_394 = arith.cmpf ogt, %select_n3A_346, %gt3A_393 : vector<16x2048xf32>
    %jit3A_395 = arith.constant 0x7F800000 : f32
    %broadcast_in_dim3A_396 = vector.broadcast %jit3A_395 : f32 to vector<16x2048xf32>
    %select_n3A_397 = arith.select %gt3A_394, %select_n3A_346, %broadcast_in_dim3A_396 : vector<16x2048xi1>, vector<16x2048xf32>
    %reduce_min3A_398 = arith.constant dense<0x7F800000> : vector<16xf32>
    %reduce_min3A_399 = vector.multi_reduction <minimumf>, %select_n3A_397, %reduce_min3A_398 [1] : vector<16x2048xf32> to vector<16xf32>
    %broadcast_in_dim3A_400 = vector.shape_cast %reduce_min3A_399 : vector<16xf32> to vector<16x1xf32>
    %eq3A_401 = vector.broadcast %broadcast_in_dim3A_400 : vector<16x1xf32> to vector<16x2048xf32>
    %eq3A_402 = arith.cmpf oeq, %select_n3A_346, %eq3A_401 : vector<16x2048xf32>
    %jit3A_403 = arith.constant 2048 : i32
    %broadcast_in_dim3A_404 = vector.broadcast %jit3A_403 : i32 to vector<16x2048xi32>
    %select_n3A_405 = arith.select %eq3A_402, %iota3A_335, %broadcast_in_dim3A_404 : vector<16x2048xi1>, vector<16x2048xi32>
    %reduce_min3A_406 = arith.constant dense<2147483647> : vector<16xi32>
    %reduce_min3A_407 = vector.multi_reduction <minsi>, %select_n3A_405, %reduce_min3A_406 [1] : vector<16x2048xi32> to vector<16xi32>
    %broadcast_in_dim3A_408 = vector.shape_cast %reduce_min3A_407 : vector<16xi32> to vector<16x1xi32>
    %sqrt3A_409 = math.sqrt %broadcast_in_dim3A_400 : vector<16x1xf32>
    %gt3A_410 = vector.broadcast %broadcast_in_dim3A_400 : vector<16x1xf32> to vector<16x2048xf32>
    %gt3A_411 = arith.cmpf ogt, %select_n3A_346, %gt3A_410 : vector<16x2048xf32>
    %jit3A_412 = arith.constant 0x7F800000 : f32
    %broadcast_in_dim3A_413 = vector.broadcast %jit3A_412 : f32 to vector<16x2048xf32>
    %select_n3A_414 = arith.select %gt3A_411, %select_n3A_346, %broadcast_in_dim3A_413 : vector<16x2048xi1>, vector<16x2048xf32>
    %reduce_min3A_415 = arith.constant dense<0x7F800000> : vector<16xf32>
    %reduce_min3A_416 = vector.multi_reduction <minimumf>, %select_n3A_414, %reduce_min3A_415 [1] : vector<16x2048xf32> to vector<16xf32>
    %broadcast_in_dim3A_417 = vector.shape_cast %reduce_min3A_416 : vector<16xf32> to vector<16x1xf32>
    %eq3A_418 = vector.broadcast %broadcast_in_dim3A_417 : vector<16x1xf32> to vector<16x2048xf32>
    %eq3A_419 = arith.cmpf oeq, %select_n3A_346, %eq3A_418 : vector<16x2048xf32>
    %jit3A_420 = arith.constant 2048 : i32
    %broadcast_in_dim3A_421 = vector.broadcast %jit3A_420 : i32 to vector<16x2048xi32>
    %select_n3A_422 = arith.select %eq3A_419, %iota3A_335, %broadcast_in_dim3A_421 : vector<16x2048xi1>, vector<16x2048xi32>
    %reduce_min3A_423 = arith.constant dense<2147483647> : vector<16xi32>
    %reduce_min3A_424 = vector.multi_reduction <minsi>, %select_n3A_422, %reduce_min3A_423 [1] : vector<16x2048xi32> to vector<16xi32>
    %broadcast_in_dim3A_425 = vector.shape_cast %reduce_min3A_424 : vector<16xi32> to vector<16x1xi32>
    %sqrt3A_426 = math.sqrt %broadcast_in_dim3A_417 : vector<16x1xf32>
    %gt3A_427 = vector.broadcast %broadcast_in_dim3A_417 : vector<16x1xf32> to vector<16x2048xf32>
    %gt3A_428 = arith.cmpf ogt, %select_n3A_346, %gt3A_427 : vector<16x2048xf32>
    %jit3A_429 = arith.constant 0x7F800000 : f32
    %broadcast_in_dim3A_430 = vector.broadcast %jit3A_429 : f32 to vector<16x2048xf32>
    %select_n3A_431 = arith.select %gt3A_428, %select_n3A_346, %broadcast_in_dim3A_430 : vector<16x2048xi1>, vector<16x2048xf32>
    %reduce_min3A_432 = arith.constant dense<0x7F800000> : vector<16xf32>
    %reduce_min3A_433 = vector.multi_reduction <minimumf>, %select_n3A_431, %reduce_min3A_432 [1] : vector<16x2048xf32> to vector<16xf32>
    %broadcast_in_dim3A_434 = vector.shape_cast %reduce_min3A_433 : vector<16xf32> to vector<16x1xf32>
    %eq3A_435 = vector.broadcast %broadcast_in_dim3A_434 : vector<16x1xf32> to vector<16x2048xf32>
    %eq3A_436 = arith.cmpf oeq, %select_n3A_346, %eq3A_435 : vector<16x2048xf32>
    %jit3A_437 = arith.constant 2048 : i32
    %broadcast_in_dim3A_438 = vector.broadcast %jit3A_437 : i32 to vector<16x2048xi32>
    %select_n3A_439 = arith.select %eq3A_436, %iota3A_335, %broadcast_in_dim3A_438 : vector<16x2048xi1>, vector<16x2048xi32>
    %reduce_min3A_440 = arith.constant dense<2147483647> : vector<16xi32>
    %reduce_min3A_441 = vector.multi_reduction <minsi>, %select_n3A_439, %reduce_min3A_440 [1] : vector<16x2048xi32> to vector<16xi32>
    %broadcast_in_dim3A_442 = vector.shape_cast %reduce_min3A_441 : vector<16xi32> to vector<16x1xi32>
    %sqrt3A_443 = math.sqrt %broadcast_in_dim3A_434 : vector<16x1xf32>
    %gt3A_444 = vector.broadcast %broadcast_in_dim3A_434 : vector<16x1xf32> to vector<16x2048xf32>
    %gt3A_445 = arith.cmpf ogt, %select_n3A_346, %gt3A_444 : vector<16x2048xf32>
    %jit3A_446 = arith.constant 0x7F800000 : f32
    %broadcast_in_dim3A_447 = vector.broadcast %jit3A_446 : f32 to vector<16x2048xf32>
    %select_n3A_448 = arith.select %gt3A_445, %select_n3A_346, %broadcast_in_dim3A_447 : vector<16x2048xi1>, vector<16x2048xf32>
    %reduce_min3A_449 = arith.constant dense<0x7F800000> : vector<16xf32>
    %reduce_min3A_450 = vector.multi_reduction <minimumf>, %select_n3A_448, %reduce_min3A_449 [1] : vector<16x2048xf32> to vector<16xf32>
    %broadcast_in_dim3A_451 = vector.shape_cast %reduce_min3A_450 : vector<16xf32> to vector<16x1xf32>
    %eq3A_452 = vector.broadcast %broadcast_in_dim3A_451 : vector<16x1xf32> to vector<16x2048xf32>
    %eq3A_453 = arith.cmpf oeq, %select_n3A_346, %eq3A_452 : vector<16x2048xf32>
    %jit3A_454 = arith.constant 2048 : i32
    %broadcast_in_dim3A_455 = vector.broadcast %jit3A_454 : i32 to vector<16x2048xi32>
    %select_n3A_456 = arith.select %eq3A_453, %iota3A_335, %broadcast_in_dim3A_455 : vector<16x2048xi1>, vector<16x2048xi32>
    %reduce_min3A_457 = arith.constant dense<2147483647> : vector<16xi32>
    %reduce_min3A_458 = vector.multi_reduction <minsi>, %select_n3A_456, %reduce_min3A_457 [1] : vector<16x2048xi32> to vector<16xi32>
    %broadcast_in_dim3A_459 = vector.shape_cast %reduce_min3A_458 : vector<16xi32> to vector<16x1xi32>
    %sqrt3A_460 = math.sqrt %broadcast_in_dim3A_451 : vector<16x1xf32>
    %gt3A_461 = vector.broadcast %broadcast_in_dim3A_451 : vector<16x1xf32> to vector<16x2048xf32>
    %gt3A_462 = arith.cmpf ogt, %select_n3A_346, %gt3A_461 : vector<16x2048xf32>
    %jit3A_463 = arith.constant 0x7F800000 : f32
    %broadcast_in_dim3A_464 = vector.broadcast %jit3A_463 : f32 to vector<16x2048xf32>
    %select_n3A_465 = arith.select %gt3A_462, %select_n3A_346, %broadcast_in_dim3A_464 : vector<16x2048xi1>, vector<16x2048xf32>
    %reduce_min3A_466 = arith.constant dense<0x7F800000> : vector<16xf32>
    %reduce_min3A_467 = vector.multi_reduction <minimumf>, %select_n3A_465, %reduce_min3A_466 [1] : vector<16x2048xf32> to vector<16xf32>
    %broadcast_in_dim3A_468 = vector.shape_cast %reduce_min3A_467 : vector<16xf32> to vector<16x1xf32>
    %eq3A_469 = vector.broadcast %broadcast_in_dim3A_468 : vector<16x1xf32> to vector<16x2048xf32>
    %eq3A_470 = arith.cmpf oeq, %select_n3A_346, %eq3A_469 : vector<16x2048xf32>
    %jit3A_471 = arith.constant 2048 : i32
    %broadcast_in_dim3A_472 = vector.broadcast %jit3A_471 : i32 to vector<16x2048xi32>
    %select_n3A_473 = arith.select %eq3A_470, %iota3A_335, %broadcast_in_dim3A_472 : vector<16x2048xi1>, vector<16x2048xi32>
    %reduce_min3A_474 = arith.constant dense<2147483647> : vector<16xi32>
    %reduce_min3A_475 = vector.multi_reduction <minsi>, %select_n3A_473, %reduce_min3A_474 [1] : vector<16x2048xi32> to vector<16xi32>
    %broadcast_in_dim3A_476 = vector.shape_cast %reduce_min3A_475 : vector<16xi32> to vector<16x1xi32>
    %sqrt3A_477 = math.sqrt %broadcast_in_dim3A_468 : vector<16x1xf32>
    %gt3A_478 = vector.broadcast %broadcast_in_dim3A_468 : vector<16x1xf32> to vector<16x2048xf32>
    %gt3A_479 = arith.cmpf ogt, %select_n3A_346, %gt3A_478 : vector<16x2048xf32>
    %jit3A_480 = arith.constant 0x7F800000 : f32
    %broadcast_in_dim3A_481 = vector.broadcast %jit3A_480 : f32 to vector<16x2048xf32>
    %select_n3A_482 = arith.select %gt3A_479, %select_n3A_346, %broadcast_in_dim3A_481 : vector<16x2048xi1>, vector<16x2048xf32>
    %reduce_min3A_483 = arith.constant dense<0x7F800000> : vector<16xf32>
    %reduce_min3A_484 = vector.multi_reduction <minimumf>, %select_n3A_482, %reduce_min3A_483 [1] : vector<16x2048xf32> to vector<16xf32>
    %broadcast_in_dim3A_485 = vector.shape_cast %reduce_min3A_484 : vector<16xf32> to vector<16x1xf32>
    %eq3A_486 = vector.broadcast %broadcast_in_dim3A_485 : vector<16x1xf32> to vector<16x2048xf32>
    %eq3A_487 = arith.cmpf oeq, %select_n3A_346, %eq3A_486 : vector<16x2048xf32>
    %jit3A_488 = arith.constant 2048 : i32
    %broadcast_in_dim3A_489 = vector.broadcast %jit3A_488 : i32 to vector<16x2048xi32>
    %select_n3A_490 = arith.select %eq3A_487, %iota3A_335, %broadcast_in_dim3A_489 : vector<16x2048xi1>, vector<16x2048xi32>
    %reduce_min3A_491 = arith.constant dense<2147483647> : vector<16xi32>
    %reduce_min3A_492 = vector.multi_reduction <minsi>, %select_n3A_490, %reduce_min3A_491 [1] : vector<16x2048xi32> to vector<16xi32>
    %broadcast_in_dim3A_493 = vector.shape_cast %reduce_min3A_492 : vector<16xi32> to vector<16x1xi32>
    %sqrt3A_494 = math.sqrt %broadcast_in_dim3A_485 : vector<16x1xf32>
    %gt3A_495 = vector.broadcast %broadcast_in_dim3A_485 : vector<16x1xf32> to vector<16x2048xf32>
    %gt3A_496 = arith.cmpf ogt, %select_n3A_346, %gt3A_495 : vector<16x2048xf32>
    %jit3A_497 = arith.constant 0x7F800000 : f32
    %broadcast_in_dim3A_498 = vector.broadcast %jit3A_497 : f32 to vector<16x2048xf32>
    %select_n3A_499 = arith.select %gt3A_496, %select_n3A_346, %broadcast_in_dim3A_498 : vector<16x2048xi1>, vector<16x2048xf32>
    %reduce_min3A_500 = arith.constant dense<0x7F800000> : vector<16xf32>
    %reduce_min3A_501 = vector.multi_reduction <minimumf>, %select_n3A_499, %reduce_min3A_500 [1] : vector<16x2048xf32> to vector<16xf32>
    %broadcast_in_dim3A_502 = vector.shape_cast %reduce_min3A_501 : vector<16xf32> to vector<16x1xf32>
    %eq3A_503 = vector.broadcast %broadcast_in_dim3A_502 : vector<16x1xf32> to vector<16x2048xf32>
    %eq3A_504 = arith.cmpf oeq, %select_n3A_346, %eq3A_503 : vector<16x2048xf32>
    %jit3A_505 = arith.constant 2048 : i32
    %broadcast_in_dim3A_506 = vector.broadcast %jit3A_505 : i32 to vector<16x2048xi32>
    %select_n3A_507 = arith.select %eq3A_504, %iota3A_335, %broadcast_in_dim3A_506 : vector<16x2048xi1>, vector<16x2048xi32>
    %reduce_min3A_508 = arith.constant dense<2147483647> : vector<16xi32>
    %reduce_min3A_509 = vector.multi_reduction <minsi>, %select_n3A_507, %reduce_min3A_508 [1] : vector<16x2048xi32> to vector<16xi32>
    %broadcast_in_dim3A_510 = vector.shape_cast %reduce_min3A_509 : vector<16xi32> to vector<16x1xi32>
    %sqrt3A_511 = math.sqrt %broadcast_in_dim3A_502 : vector<16x1xf32>
    %gt3A_512 = vector.broadcast %broadcast_in_dim3A_502 : vector<16x1xf32> to vector<16x2048xf32>
    %gt3A_513 = arith.cmpf ogt, %select_n3A_346, %gt3A_512 : vector<16x2048xf32>
    %jit3A_514 = arith.constant 0x7F800000 : f32
    %broadcast_in_dim3A_515 = vector.broadcast %jit3A_514 : f32 to vector<16x2048xf32>
    %select_n3A_516 = arith.select %gt3A_513, %select_n3A_346, %broadcast_in_dim3A_515 : vector<16x2048xi1>, vector<16x2048xf32>
    %reduce_min3A_517 = arith.constant dense<0x7F800000> : vector<16xf32>
    %reduce_min3A_518 = vector.multi_reduction <minimumf>, %select_n3A_516, %reduce_min3A_517 [1] : vector<16x2048xf32> to vector<16xf32>
    %broadcast_in_dim3A_519 = vector.shape_cast %reduce_min3A_518 : vector<16xf32> to vector<16x1xf32>
    %eq3A_520 = vector.broadcast %broadcast_in_dim3A_519 : vector<16x1xf32> to vector<16x2048xf32>
    %eq3A_521 = arith.cmpf oeq, %select_n3A_346, %eq3A_520 : vector<16x2048xf32>
    %jit3A_522 = arith.constant 2048 : i32
    %broadcast_in_dim3A_523 = vector.broadcast %jit3A_522 : i32 to vector<16x2048xi32>
    %select_n3A_524 = arith.select %eq3A_521, %iota3A_335, %broadcast_in_dim3A_523 : vector<16x2048xi1>, vector<16x2048xi32>
    %reduce_min3A_525 = arith.constant dense<2147483647> : vector<16xi32>
    %reduce_min3A_526 = vector.multi_reduction <minsi>, %select_n3A_524, %reduce_min3A_525 [1] : vector<16x2048xi32> to vector<16xi32>
    %broadcast_in_dim3A_527 = vector.shape_cast %reduce_min3A_526 : vector<16xi32> to vector<16x1xi32>
    %sqrt3A_528 = math.sqrt %broadcast_in_dim3A_519 : vector<16x1xf32>
    %gt3A_529 = vector.broadcast %broadcast_in_dim3A_519 : vector<16x1xf32> to vector<16x2048xf32>
    %gt3A_530 = arith.cmpf ogt, %select_n3A_346, %gt3A_529 : vector<16x2048xf32>
    %jit3A_531 = arith.constant 0x7F800000 : f32
    %broadcast_in_dim3A_532 = vector.broadcast %jit3A_531 : f32 to vector<16x2048xf32>
    %select_n3A_533 = arith.select %gt3A_530, %select_n3A_346, %broadcast_in_dim3A_532 : vector<16x2048xi1>, vector<16x2048xf32>
    %reduce_min3A_534 = arith.constant dense<0x7F800000> : vector<16xf32>
    %reduce_min3A_535 = vector.multi_reduction <minimumf>, %select_n3A_533, %reduce_min3A_534 [1] : vector<16x2048xf32> to vector<16xf32>
    %broadcast_in_dim3A_536 = vector.shape_cast %reduce_min3A_535 : vector<16xf32> to vector<16x1xf32>
    %eq3A_537 = vector.broadcast %broadcast_in_dim3A_536 : vector<16x1xf32> to vector<16x2048xf32>
    %eq3A_538 = arith.cmpf oeq, %select_n3A_346, %eq3A_537 : vector<16x2048xf32>
    %jit3A_539 = arith.constant 2048 : i32
    %broadcast_in_dim3A_540 = vector.broadcast %jit3A_539 : i32 to vector<16x2048xi32>
    %select_n3A_541 = arith.select %eq3A_538, %iota3A_335, %broadcast_in_dim3A_540 : vector<16x2048xi1>, vector<16x2048xi32>
    %reduce_min3A_542 = arith.constant dense<2147483647> : vector<16xi32>
    %reduce_min3A_543 = vector.multi_reduction <minsi>, %select_n3A_541, %reduce_min3A_542 [1] : vector<16x2048xi32> to vector<16xi32>
    %broadcast_in_dim3A_544 = vector.shape_cast %reduce_min3A_543 : vector<16xi32> to vector<16x1xi32>
    %sqrt3A_545 = math.sqrt %broadcast_in_dim3A_536 : vector<16x1xf32>
    %gt3A_546 = vector.broadcast %broadcast_in_dim3A_536 : vector<16x1xf32> to vector<16x2048xf32>
    %gt3A_547 = arith.cmpf ogt, %select_n3A_346, %gt3A_546 : vector<16x2048xf32>
    %jit3A_548 = arith.constant 0x7F800000 : f32
    %broadcast_in_dim3A_549 = vector.broadcast %jit3A_548 : f32 to vector<16x2048xf32>
    %select_n3A_550 = arith.select %gt3A_547, %select_n3A_346, %broadcast_in_dim3A_549 : vector<16x2048xi1>, vector<16x2048xf32>
    %reduce_min3A_551 = arith.constant dense<0x7F800000> : vector<16xf32>
    %reduce_min3A_552 = vector.multi_reduction <minimumf>, %select_n3A_550, %reduce_min3A_551 [1] : vector<16x2048xf32> to vector<16xf32>
    %broadcast_in_dim3A_553 = vector.shape_cast %reduce_min3A_552 : vector<16xf32> to vector<16x1xf32>
    %eq3A_554 = vector.broadcast %broadcast_in_dim3A_553 : vector<16x1xf32> to vector<16x2048xf32>
    %eq3A_555 = arith.cmpf oeq, %select_n3A_346, %eq3A_554 : vector<16x2048xf32>
    %jit3A_556 = arith.constant 2048 : i32
    %broadcast_in_dim3A_557 = vector.broadcast %jit3A_556 : i32 to vector<16x2048xi32>
    %select_n3A_558 = arith.select %eq3A_555, %iota3A_335, %broadcast_in_dim3A_557 : vector<16x2048xi1>, vector<16x2048xi32>
    %reduce_min3A_559 = arith.constant dense<2147483647> : vector<16xi32>
    %reduce_min3A_560 = vector.multi_reduction <minsi>, %select_n3A_558, %reduce_min3A_559 [1] : vector<16x2048xi32> to vector<16xi32>
    %broadcast_in_dim3A_561 = vector.shape_cast %reduce_min3A_560 : vector<16xi32> to vector<16x1xi32>
    %sqrt3A_562 = math.sqrt %broadcast_in_dim3A_553 : vector<16x1xf32>
    %gt3A_563 = vector.broadcast %broadcast_in_dim3A_553 : vector<16x1xf32> to vector<16x2048xf32>
    %gt3A_564 = arith.cmpf ogt, %select_n3A_346, %gt3A_563 : vector<16x2048xf32>
    %jit3A_565 = arith.constant 0x7F800000 : f32
    %broadcast_in_dim3A_566 = vector.broadcast %jit3A_565 : f32 to vector<16x2048xf32>
    %select_n3A_567 = arith.select %gt3A_564, %select_n3A_346, %broadcast_in_dim3A_566 : vector<16x2048xi1>, vector<16x2048xf32>
    %reduce_min3A_568 = arith.constant dense<0x7F800000> : vector<16xf32>
    %reduce_min3A_569 = vector.multi_reduction <minimumf>, %select_n3A_567, %reduce_min3A_568 [1] : vector<16x2048xf32> to vector<16xf32>
    %broadcast_in_dim3A_570 = vector.shape_cast %reduce_min3A_569 : vector<16xf32> to vector<16x1xf32>
    %eq3A_571 = vector.broadcast %broadcast_in_dim3A_570 : vector<16x1xf32> to vector<16x2048xf32>
    %eq3A_572 = arith.cmpf oeq, %select_n3A_346, %eq3A_571 : vector<16x2048xf32>
    %jit3A_573 = arith.constant 2048 : i32
    %broadcast_in_dim3A_574 = vector.broadcast %jit3A_573 : i32 to vector<16x2048xi32>
    %select_n3A_575 = arith.select %eq3A_572, %iota3A_335, %broadcast_in_dim3A_574 : vector<16x2048xi1>, vector<16x2048xi32>
    %reduce_min3A_576 = arith.constant dense<2147483647> : vector<16xi32>
    %reduce_min3A_577 = vector.multi_reduction <minsi>, %select_n3A_575, %reduce_min3A_576 [1] : vector<16x2048xi32> to vector<16xi32>
    %broadcast_in_dim3A_578 = vector.shape_cast %reduce_min3A_577 : vector<16xi32> to vector<16x1xi32>
    %sqrt3A_579 = math.sqrt %broadcast_in_dim3A_570 : vector<16x1xf32>
    %gt3A_580 = vector.broadcast %broadcast_in_dim3A_570 : vector<16x1xf32> to vector<16x2048xf32>
    %gt3A_581 = arith.cmpf ogt, %select_n3A_346, %gt3A_580 : vector<16x2048xf32>
    %jit3A_582 = arith.constant 0x7F800000 : f32
    %broadcast_in_dim3A_583 = vector.broadcast %jit3A_582 : f32 to vector<16x2048xf32>
    %select_n3A_584 = arith.select %gt3A_581, %select_n3A_346, %broadcast_in_dim3A_583 : vector<16x2048xi1>, vector<16x2048xf32>
    %reduce_min3A_585 = arith.constant dense<0x7F800000> : vector<16xf32>
    %reduce_min3A_586 = vector.multi_reduction <minimumf>, %select_n3A_584, %reduce_min3A_585 [1] : vector<16x2048xf32> to vector<16xf32>
    %broadcast_in_dim3A_587 = vector.shape_cast %reduce_min3A_586 : vector<16xf32> to vector<16x1xf32>
    %eq3A_588 = vector.broadcast %broadcast_in_dim3A_587 : vector<16x1xf32> to vector<16x2048xf32>
    %eq3A_589 = arith.cmpf oeq, %select_n3A_346, %eq3A_588 : vector<16x2048xf32>
    %jit3A_590 = arith.constant 2048 : i32
    %broadcast_in_dim3A_591 = vector.broadcast %jit3A_590 : i32 to vector<16x2048xi32>
    %select_n3A_592 = arith.select %eq3A_589, %iota3A_335, %broadcast_in_dim3A_591 : vector<16x2048xi1>, vector<16x2048xi32>
    %reduce_min3A_593 = arith.constant dense<2147483647> : vector<16xi32>
    %reduce_min3A_594 = vector.multi_reduction <minsi>, %select_n3A_592, %reduce_min3A_593 [1] : vector<16x2048xi32> to vector<16xi32>
    %broadcast_in_dim3A_595 = vector.shape_cast %reduce_min3A_594 : vector<16xi32> to vector<16x1xi32>
    %sqrt3A_596 = math.sqrt %broadcast_in_dim3A_587 : vector<16x1xf32>
    %gt3A_597 = vector.broadcast %broadcast_in_dim3A_587 : vector<16x1xf32> to vector<16x2048xf32>
    %gt3A_598 = arith.cmpf ogt, %select_n3A_346, %gt3A_597 : vector<16x2048xf32>
    %jit3A_599 = arith.constant 0x7F800000 : f32
    %broadcast_in_dim3A_600 = vector.broadcast %jit3A_599 : f32 to vector<16x2048xf32>
    %select_n3A_601 = arith.select %gt3A_598, %select_n3A_346, %broadcast_in_dim3A_600 : vector<16x2048xi1>, vector<16x2048xf32>
    %reduce_min3A_602 = arith.constant dense<0x7F800000> : vector<16xf32>
    %reduce_min3A_603 = vector.multi_reduction <minimumf>, %select_n3A_601, %reduce_min3A_602 [1] : vector<16x2048xf32> to vector<16xf32>
    %broadcast_in_dim3A_604 = vector.shape_cast %reduce_min3A_603 : vector<16xf32> to vector<16x1xf32>
    %eq3A_605 = vector.broadcast %broadcast_in_dim3A_604 : vector<16x1xf32> to vector<16x2048xf32>
    %eq3A_606 = arith.cmpf oeq, %select_n3A_346, %eq3A_605 : vector<16x2048xf32>
    %jit3A_607 = arith.constant 2048 : i32
    %broadcast_in_dim3A_608 = vector.broadcast %jit3A_607 : i32 to vector<16x2048xi32>
    %select_n3A_609 = arith.select %eq3A_606, %iota3A_335, %broadcast_in_dim3A_608 : vector<16x2048xi1>, vector<16x2048xi32>
    %reduce_min3A_610 = arith.constant dense<2147483647> : vector<16xi32>
    %reduce_min3A_611 = vector.multi_reduction <minsi>, %select_n3A_609, %reduce_min3A_610 [1] : vector<16x2048xi32> to vector<16xi32>
    %broadcast_in_dim3A_612 = vector.shape_cast %reduce_min3A_611 : vector<16xi32> to vector<16x1xi32>
    %sqrt3A_613 = math.sqrt %broadcast_in_dim3A_604 : vector<16x1xf32>
    %concatenate3A_614 = tpu.concatenate %broadcast_in_dim3A_357, %broadcast_in_dim3A_374, %broadcast_in_dim3A_391, %broadcast_in_dim3A_408, %broadcast_in_dim3A_425, %broadcast_in_dim3A_442, %broadcast_in_dim3A_459, %broadcast_in_dim3A_476, %broadcast_in_dim3A_493, %broadcast_in_dim3A_510, %broadcast_in_dim3A_527, %broadcast_in_dim3A_544, %broadcast_in_dim3A_561, %broadcast_in_dim3A_578, %broadcast_in_dim3A_595, %broadcast_in_dim3A_612 in 1 : vector<16x1xi32>, vector<16x1xi32>, vector<16x1xi32>, vector<16x1xi32>, vector<16x1xi32>, vector<16x1xi32>, vector<16x1xi32>, vector<16x1xi32>, vector<16x1xi32>, vector<16x1xi32>, vector<16x1xi32>, vector<16x1xi32>, vector<16x1xi32>, vector<16x1xi32>, vector<16x1xi32>, vector<16x1xi32> -> vector<16x16xi32>
    %concatenate3A_615 = tpu.concatenate %sqrt3A_358, %sqrt3A_375, %sqrt3A_392, %sqrt3A_409, %sqrt3A_426, %sqrt3A_443, %sqrt3A_460, %sqrt3A_477, %sqrt3A_494, %sqrt3A_511, %sqrt3A_528, %sqrt3A_545, %sqrt3A_562, %sqrt3A_579, %sqrt3A_596, %sqrt3A_613 in 1 : vector<16x1xf32>, vector<16x1xf32>, vector<16x1xf32>, vector<16x1xf32>, vector<16x1xf32>, vector<16x1xf32>, vector<16x1xf32>, vector<16x1xf32>, vector<16x1xf32>, vector<16x1xf32>, vector<16x1xf32>, vector<16x1xf32>, vector<16x1xf32>, vector<16x1xf32>, vector<16x1xf32>, vector<16x1xf32> -> vector<16x16xf32>
    %swap3A_616 = arith.constant 0 : index
    %swap3A_617 = arith.constant 0 : index
    %swap3A_618 = arith.constant 0 : index
    %swap3A_619 = vector.load %arg6[%swap3A_616, %swap3A_617, %swap3A_618] : memref<1x16x16xi32, #tpu.memory_space<vmem>>, vector<1x16x16xi32>
    %swap3A_620 = vector.shape_cast %swap3A_619 : vector<1x16x16xi32> to vector<16x16xi32>
    %swap3A_621 = vector.shape_cast %concatenate3A_614 : vector<16x16xi32> to vector<1x16x16xi32>
    tpu.vector_store %arg6[%swap3A_616, %swap3A_617, %swap3A_618], %swap3A_621 {strides = array<i32>} : memref<1x16x16xi32, #tpu.memory_space<vmem>>, vector<1x16x16xi32>,
    %swap3A_622 = arith.constant 0 : index
    %swap3A_623 = arith.constant 0 : index
    %swap3A_624 = arith.constant 0 : index
    %swap3A_625 = vector.load %arg7[%swap3A_622, %swap3A_623, %swap3A_624] : memref<1x16x16xf32, #tpu.memory_space<vmem>>, vector<1x16x16xf32>
    %swap3A_626 = vector.shape_cast %swap3A_625 : vector<1x16x16xf32> to vector<16x16xf32>
    %swap3A_627 = vector.shape_cast %concatenate3A_615 : vector<16x16xf32> to vector<1x16x16xf32>
    tpu.vector_store %arg7[%swap3A_622, %swap3A_623, %swap3A_624], %swap3A_627 {strides = array<i32>} : memref<1x16x16xf32, #tpu.memory_space<vmem>>, vector<1x16x16xf32>,
    return
  }
  func.func @transform_0(%arg0: i32, %arg1: memref<8xi32, #tpu.memory_space<smem>>) -> (i32, i32, i32) {
    %c0_i32 = arith.constant 0 : i32
    %c0_i32_0 = arith.constant 0 : i32
    %c0_i32_1 = arith.constant 0 : i32
    return %arg0, %c0_i32, %c0_i32_0 : i32, i32, i32
  }
  func.func @transform_1(%arg0: i32, %arg1: memref<8xi32, #tpu.memory_space<smem>>) -> (i32, i32, i32) {
    %c0_i32 = arith.constant 0 : i32
    %c0_i32_0 = arith.constant 0 : i32
    %c0_i32_1 = arith.constant 0 : i32
    return %arg0, %c0_i32, %c0_i32_0 : i32, i32, i32
  }
  func.func @transform_2(%arg0: i32, %arg1: memref<8xi32, #tpu.memory_space<smem>>) -> (i32, i32, i32) {
    %c0_i32 = arith.constant 0 : i32
    %c0_i32_0 = arith.constant 0 : i32
    %c0_i32_1 = arith.constant 0 : i32
    return %arg0, %c0_i32, %c0_i32_0 : i32, i32, i32
  }
  func.func @transform_3(%arg0: i32, %arg1: memref<8xi32, #tpu.memory_space<smem>>) -> (i32, i32, i32) {
    %c0_i32 = arith.constant 0 : i32
    %c0_i32_0 = arith.constant 0 : i32
    %c0_i32_1 = arith.constant 0 : i32
    return %arg0, %c0_i32, %c0_i32_0 : i32, i32, i32
  }
  func.func @transform_4(%arg0: i32, %arg1: memref<8xi32, #tpu.memory_space<smem>>) -> (i32, i32, i32) {
    %c0_i32 = arith.constant 0 : i32
    %c0_i32_0 = arith.constant 0 : i32
    %c0_i32_1 = arith.constant 0 : i32
    return %arg0, %c0_i32, %c0_i32_0 : i32, i32, i32
  }
  func.func @transform_5(%arg0: i32, %arg1: memref<8xi32, #tpu.memory_space<smem>>) -> (i32, i32, i32) {
    %c0_i32 = arith.constant 0 : i32
    %c0_i32_0 = arith.constant 0 : i32
    %c0_i32_1 = arith.constant 0 : i32
    return %arg0, %c0_i32, %c0_i32_0 : i32, i32, i32
  }
}

module attributes {stable_mosaic.version = 14 : i64} {
  func.func @_deg_body(%arg0: i32, %arg1: memref<8xi32, #tpu.memory_space<smem>>, %arg2: memref<8x1x2048xf32, #tpu.memory_space<vmem>>, %arg3: memref<1x1xf32, #tpu.memory_space<vmem>>, %arg4: memref<1x1xf32, #tpu.memory_space<vmem>>, %arg5: memref<8x1x2048xf32, #tpu.memory_space<vmem>>, %arg6: memref<8x128xf32, #tpu.memory_space<vmem>>) attributes {dimension_semantics = [#tpu.dimension_semantics<arbitrary>], iteration_bounds = array<i64: 1>, scalar_prefetch = 1 : i64, scratch_operands = 0 : i64, tpu.core_type = #tpu.core_type<tc>, window_params = [{pipeline_mode = #tpu.pipeline_mode<synchronous>, transform_indices = @transform_0, window_bounds = array<i64: 8, 1, 2048>}, {pipeline_mode = #tpu.pipeline_mode<synchronous>, transform_indices = @transform_1, window_bounds = array<i64: 1, 1>}, {pipeline_mode = #tpu.pipeline_mode<synchronous>, transform_indices = @transform_2, window_bounds = array<i64: 1, 1>}, {pipeline_mode = #tpu.pipeline_mode<synchronous>, transform_indices = @transform_3, window_bounds = array<i64: 8, 1, 2048>}, {pipeline_mode = #tpu.pipeline_mode<synchronous>, transform_indices = @transform_4, window_bounds = array<i64: 8, 128>}]} {
    %get3A = arith.constant 0 : index
    %get3A_0 = arith.constant 0 : index
    %get3A_1 = vector.load %arg3[%get3A, %get3A_0] : memref<1x1xf32, #tpu.memory_space<vmem>>, vector<1x1xf32>
    %get3A_2 = arith.constant 0 : index
    %get3A_3 = arith.constant 0 : index
    %get3A_4 = vector.load %arg4[%get3A_2, %get3A_3] : memref<1x1xf32, #tpu.memory_space<vmem>>, vector<1x1xf32>
    %sub3A = arith.subf %get3A_1, %get3A_4 : vector<1x1xf32>
    %div3A = arith.constant 1.000000e+00 : f32
    %div3A_5 = vector.broadcast %div3A : f32 to vector<1x1xf32>
    %div3A_6 = arith.divf %div3A_5, %sub3A : vector<1x1xf32>
    %iota3A = tpu.iota {dimensions = array<i32: 1>} : vector<1x2048xi32>
    %get3A_7 = arith.constant 0 : index
    %get3A_8 = memref.load %arg1[%get3A_7] : memref<8xi32, #tpu.memory_space<smem>>
    %lt3A = vector.broadcast %get3A_8 : i32 to vector<1x2048xi32>
    %lt3A_9 = arith.cmpi slt, %iota3A, %lt3A : vector<1x2048xi32>
    %mul3A = arith.constant 1.600000e+01 : f32
    %mul3A_10 = vector.broadcast %mul3A : f32 to vector<1x1xf32>
    %mul3A_11 = arith.mulf %mul3A_10, %get3A_1 : vector<1x1xf32>
    %get3A_12 = arith.constant 0 : index
    %get3A_13 = arith.constant 0 : index
    %get3A_14 = arith.constant 0 : index
    %get3A_15 = vector.load %arg2[%get3A_12, %get3A_13, %get3A_14] : memref<8x1x2048xf32, #tpu.memory_space<vmem>>, vector<1x1x2048xf32>
    %get3A_16 = vector.shape_cast %get3A_15 : vector<1x1x2048xf32> to vector<2048xf32>
    %broadcast_in_dim3A = vector.shape_cast %get3A_16 : vector<2048xf32> to vector<1x2048xf32>
    %sub3A_17 = vector.broadcast %mul3A_11 : vector<1x1xf32> to vector<1x2048xf32>
    %sub3A_18 = arith.subf %sub3A_17, %broadcast_in_dim3A : vector<1x2048xf32>
    %mul3A_19 = vector.broadcast %div3A_6 : vector<1x1xf32> to vector<1x2048xf32>
    %mul3A_20 = arith.mulf %sub3A_18, %mul3A_19 : vector<1x2048xf32>
    %add3A = arith.constant 1.000000e+00 : f32
    %add3A_21 = vector.broadcast %add3A : f32 to vector<1x2048xf32>
    %add3A_22 = arith.addf %add3A_21, %mul3A_20 : vector<1x2048xf32>
    %rsqrt3A = math.rsqrt %add3A_22 : vector<1x2048xf32>
    %jit3A = arith.constant 0.000000e+00 : f32
    %broadcast_in_dim3A_23 = vector.broadcast %jit3A : f32 to vector<1x2048xf32>
    %select_n3A = arith.select %lt3A_9, %rsqrt3A, %broadcast_in_dim3A_23 : vector<1x2048xi1>, vector<1x2048xf32>
    %squeeze3A = vector.shape_cast %select_n3A : vector<1x2048xf32> to vector<2048xf32>
    %swap3A = arith.constant 0 : index
    %swap3A_24 = arith.constant 0 : index
    %swap3A_25 = arith.constant 0 : index
    %swap3A_26 = vector.load %arg5[%swap3A, %swap3A_24, %swap3A_25] : memref<8x1x2048xf32, #tpu.memory_space<vmem>>, vector<1x1x2048xf32>
    %swap3A_27 = vector.shape_cast %swap3A_26 : vector<1x1x2048xf32> to vector<2048xf32>
    %swap3A_28 = vector.shape_cast %squeeze3A : vector<2048xf32> to vector<1x1x2048xf32>
    tpu.vector_store %arg5[%swap3A, %swap3A_24, %swap3A_25], %swap3A_28 {strides = array<i32>} : memref<8x1x2048xf32, #tpu.memory_space<vmem>>, vector<1x1x2048xf32>,
    %get3A_29 = arith.constant 1 : index
    %get3A_30 = memref.load %arg1[%get3A_29] : memref<8xi32, #tpu.memory_space<smem>>
    %lt3A_31 = vector.broadcast %get3A_30 : i32 to vector<1x2048xi32>
    %lt3A_32 = arith.cmpi slt, %iota3A, %lt3A_31 : vector<1x2048xi32>
    %mul3A_33 = arith.constant 1.600000e+01 : f32
    %mul3A_34 = vector.broadcast %mul3A_33 : f32 to vector<1x1xf32>
    %mul3A_35 = arith.mulf %mul3A_34, %get3A_1 : vector<1x1xf32>
    %get3A_36 = arith.constant 1 : index
    %get3A_37 = arith.constant 0 : index
    %get3A_38 = arith.constant 0 : index
    %get3A_39 = vector.load %arg2[%get3A_36, %get3A_37, %get3A_38] : memref<8x1x2048xf32, #tpu.memory_space<vmem>>, vector<1x1x2048xf32>
    %get3A_40 = vector.shape_cast %get3A_39 : vector<1x1x2048xf32> to vector<2048xf32>
    %broadcast_in_dim3A_41 = vector.shape_cast %get3A_40 : vector<2048xf32> to vector<1x2048xf32>
    %sub3A_42 = vector.broadcast %mul3A_35 : vector<1x1xf32> to vector<1x2048xf32>
    %sub3A_43 = arith.subf %sub3A_42, %broadcast_in_dim3A_41 : vector<1x2048xf32>
    %mul3A_44 = vector.broadcast %div3A_6 : vector<1x1xf32> to vector<1x2048xf32>
    %mul3A_45 = arith.mulf %sub3A_43, %mul3A_44 : vector<1x2048xf32>
    %add3A_46 = arith.constant 1.000000e+00 : f32
    %add3A_47 = vector.broadcast %add3A_46 : f32 to vector<1x2048xf32>
    %add3A_48 = arith.addf %add3A_47, %mul3A_45 : vector<1x2048xf32>
    %rsqrt3A_49 = math.rsqrt %add3A_48 : vector<1x2048xf32>
    %jit3A_50 = arith.constant 0.000000e+00 : f32
    %broadcast_in_dim3A_51 = vector.broadcast %jit3A_50 : f32 to vector<1x2048xf32>
    %select_n3A_52 = arith.select %lt3A_32, %rsqrt3A_49, %broadcast_in_dim3A_51 : vector<1x2048xi1>, vector<1x2048xf32>
    %squeeze3A_53 = vector.shape_cast %select_n3A_52 : vector<1x2048xf32> to vector<2048xf32>
    %swap3A_54 = arith.constant 1 : index
    %swap3A_55 = arith.constant 0 : index
    %swap3A_56 = arith.constant 0 : index
    %swap3A_57 = vector.load %arg5[%swap3A_54, %swap3A_55, %swap3A_56] : memref<8x1x2048xf32, #tpu.memory_space<vmem>>, vector<1x1x2048xf32>
    %swap3A_58 = vector.shape_cast %swap3A_57 : vector<1x1x2048xf32> to vector<2048xf32>
    %swap3A_59 = vector.shape_cast %squeeze3A_53 : vector<2048xf32> to vector<1x1x2048xf32>
    tpu.vector_store %arg5[%swap3A_54, %swap3A_55, %swap3A_56], %swap3A_59 {strides = array<i32>} : memref<8x1x2048xf32, #tpu.memory_space<vmem>>, vector<1x1x2048xf32>,
    %get3A_60 = arith.constant 2 : index
    %get3A_61 = memref.load %arg1[%get3A_60] : memref<8xi32, #tpu.memory_space<smem>>
    %lt3A_62 = vector.broadcast %get3A_61 : i32 to vector<1x2048xi32>
    %lt3A_63 = arith.cmpi slt, %iota3A, %lt3A_62 : vector<1x2048xi32>
    %mul3A_64 = arith.constant 1.600000e+01 : f32
    %mul3A_65 = vector.broadcast %mul3A_64 : f32 to vector<1x1xf32>
    %mul3A_66 = arith.mulf %mul3A_65, %get3A_1 : vector<1x1xf32>
    %get3A_67 = arith.constant 2 : index
    %get3A_68 = arith.constant 0 : index
    %get3A_69 = arith.constant 0 : index
    %get3A_70 = vector.load %arg2[%get3A_67, %get3A_68, %get3A_69] : memref<8x1x2048xf32, #tpu.memory_space<vmem>>, vector<1x1x2048xf32>
    %get3A_71 = vector.shape_cast %get3A_70 : vector<1x1x2048xf32> to vector<2048xf32>
    %broadcast_in_dim3A_72 = vector.shape_cast %get3A_71 : vector<2048xf32> to vector<1x2048xf32>
    %sub3A_73 = vector.broadcast %mul3A_66 : vector<1x1xf32> to vector<1x2048xf32>
    %sub3A_74 = arith.subf %sub3A_73, %broadcast_in_dim3A_72 : vector<1x2048xf32>
    %mul3A_75 = vector.broadcast %div3A_6 : vector<1x1xf32> to vector<1x2048xf32>
    %mul3A_76 = arith.mulf %sub3A_74, %mul3A_75 : vector<1x2048xf32>
    %add3A_77 = arith.constant 1.000000e+00 : f32
    %add3A_78 = vector.broadcast %add3A_77 : f32 to vector<1x2048xf32>
    %add3A_79 = arith.addf %add3A_78, %mul3A_76 : vector<1x2048xf32>
    %rsqrt3A_80 = math.rsqrt %add3A_79 : vector<1x2048xf32>
    %jit3A_81 = arith.constant 0.000000e+00 : f32
    %broadcast_in_dim3A_82 = vector.broadcast %jit3A_81 : f32 to vector<1x2048xf32>
    %select_n3A_83 = arith.select %lt3A_63, %rsqrt3A_80, %broadcast_in_dim3A_82 : vector<1x2048xi1>, vector<1x2048xf32>
    %squeeze3A_84 = vector.shape_cast %select_n3A_83 : vector<1x2048xf32> to vector<2048xf32>
    %swap3A_85 = arith.constant 2 : index
    %swap3A_86 = arith.constant 0 : index
    %swap3A_87 = arith.constant 0 : index
    %swap3A_88 = vector.load %arg5[%swap3A_85, %swap3A_86, %swap3A_87] : memref<8x1x2048xf32, #tpu.memory_space<vmem>>, vector<1x1x2048xf32>
    %swap3A_89 = vector.shape_cast %swap3A_88 : vector<1x1x2048xf32> to vector<2048xf32>
    %swap3A_90 = vector.shape_cast %squeeze3A_84 : vector<2048xf32> to vector<1x1x2048xf32>
    tpu.vector_store %arg5[%swap3A_85, %swap3A_86, %swap3A_87], %swap3A_90 {strides = array<i32>} : memref<8x1x2048xf32, #tpu.memory_space<vmem>>, vector<1x1x2048xf32>,
    %get3A_91 = arith.constant 3 : index
    %get3A_92 = memref.load %arg1[%get3A_91] : memref<8xi32, #tpu.memory_space<smem>>
    %lt3A_93 = vector.broadcast %get3A_92 : i32 to vector<1x2048xi32>
    %lt3A_94 = arith.cmpi slt, %iota3A, %lt3A_93 : vector<1x2048xi32>
    %mul3A_95 = arith.constant 1.600000e+01 : f32
    %mul3A_96 = vector.broadcast %mul3A_95 : f32 to vector<1x1xf32>
    %mul3A_97 = arith.mulf %mul3A_96, %get3A_1 : vector<1x1xf32>
    %get3A_98 = arith.constant 3 : index
    %get3A_99 = arith.constant 0 : index
    %get3A_100 = arith.constant 0 : index
    %get3A_101 = vector.load %arg2[%get3A_98, %get3A_99, %get3A_100] : memref<8x1x2048xf32, #tpu.memory_space<vmem>>, vector<1x1x2048xf32>
    %get3A_102 = vector.shape_cast %get3A_101 : vector<1x1x2048xf32> to vector<2048xf32>
    %broadcast_in_dim3A_103 = vector.shape_cast %get3A_102 : vector<2048xf32> to vector<1x2048xf32>
    %sub3A_104 = vector.broadcast %mul3A_97 : vector<1x1xf32> to vector<1x2048xf32>
    %sub3A_105 = arith.subf %sub3A_104, %broadcast_in_dim3A_103 : vector<1x2048xf32>
    %mul3A_106 = vector.broadcast %div3A_6 : vector<1x1xf32> to vector<1x2048xf32>
    %mul3A_107 = arith.mulf %sub3A_105, %mul3A_106 : vector<1x2048xf32>
    %add3A_108 = arith.constant 1.000000e+00 : f32
    %add3A_109 = vector.broadcast %add3A_108 : f32 to vector<1x2048xf32>
    %add3A_110 = arith.addf %add3A_109, %mul3A_107 : vector<1x2048xf32>
    %rsqrt3A_111 = math.rsqrt %add3A_110 : vector<1x2048xf32>
    %jit3A_112 = arith.constant 0.000000e+00 : f32
    %broadcast_in_dim3A_113 = vector.broadcast %jit3A_112 : f32 to vector<1x2048xf32>
    %select_n3A_114 = arith.select %lt3A_94, %rsqrt3A_111, %broadcast_in_dim3A_113 : vector<1x2048xi1>, vector<1x2048xf32>
    %squeeze3A_115 = vector.shape_cast %select_n3A_114 : vector<1x2048xf32> to vector<2048xf32>
    %swap3A_116 = arith.constant 3 : index
    %swap3A_117 = arith.constant 0 : index
    %swap3A_118 = arith.constant 0 : index
    %swap3A_119 = vector.load %arg5[%swap3A_116, %swap3A_117, %swap3A_118] : memref<8x1x2048xf32, #tpu.memory_space<vmem>>, vector<1x1x2048xf32>
    %swap3A_120 = vector.shape_cast %swap3A_119 : vector<1x1x2048xf32> to vector<2048xf32>
    %swap3A_121 = vector.shape_cast %squeeze3A_115 : vector<2048xf32> to vector<1x1x2048xf32>
    tpu.vector_store %arg5[%swap3A_116, %swap3A_117, %swap3A_118], %swap3A_121 {strides = array<i32>} : memref<8x1x2048xf32, #tpu.memory_space<vmem>>, vector<1x1x2048xf32>,
    %get3A_122 = arith.constant 4 : index
    %get3A_123 = memref.load %arg1[%get3A_122] : memref<8xi32, #tpu.memory_space<smem>>
    %lt3A_124 = vector.broadcast %get3A_123 : i32 to vector<1x2048xi32>
    %lt3A_125 = arith.cmpi slt, %iota3A, %lt3A_124 : vector<1x2048xi32>
    %mul3A_126 = arith.constant 1.600000e+01 : f32
    %mul3A_127 = vector.broadcast %mul3A_126 : f32 to vector<1x1xf32>
    %mul3A_128 = arith.mulf %mul3A_127, %get3A_1 : vector<1x1xf32>
    %get3A_129 = arith.constant 4 : index
    %get3A_130 = arith.constant 0 : index
    %get3A_131 = arith.constant 0 : index
    %get3A_132 = vector.load %arg2[%get3A_129, %get3A_130, %get3A_131] : memref<8x1x2048xf32, #tpu.memory_space<vmem>>, vector<1x1x2048xf32>
    %get3A_133 = vector.shape_cast %get3A_132 : vector<1x1x2048xf32> to vector<2048xf32>
    %broadcast_in_dim3A_134 = vector.shape_cast %get3A_133 : vector<2048xf32> to vector<1x2048xf32>
    %sub3A_135 = vector.broadcast %mul3A_128 : vector<1x1xf32> to vector<1x2048xf32>
    %sub3A_136 = arith.subf %sub3A_135, %broadcast_in_dim3A_134 : vector<1x2048xf32>
    %mul3A_137 = vector.broadcast %div3A_6 : vector<1x1xf32> to vector<1x2048xf32>
    %mul3A_138 = arith.mulf %sub3A_136, %mul3A_137 : vector<1x2048xf32>
    %add3A_139 = arith.constant 1.000000e+00 : f32
    %add3A_140 = vector.broadcast %add3A_139 : f32 to vector<1x2048xf32>
    %add3A_141 = arith.addf %add3A_140, %mul3A_138 : vector<1x2048xf32>
    %rsqrt3A_142 = math.rsqrt %add3A_141 : vector<1x2048xf32>
    %jit3A_143 = arith.constant 0.000000e+00 : f32
    %broadcast_in_dim3A_144 = vector.broadcast %jit3A_143 : f32 to vector<1x2048xf32>
    %select_n3A_145 = arith.select %lt3A_125, %rsqrt3A_142, %broadcast_in_dim3A_144 : vector<1x2048xi1>, vector<1x2048xf32>
    %squeeze3A_146 = vector.shape_cast %select_n3A_145 : vector<1x2048xf32> to vector<2048xf32>
    %swap3A_147 = arith.constant 4 : index
    %swap3A_148 = arith.constant 0 : index
    %swap3A_149 = arith.constant 0 : index
    %swap3A_150 = vector.load %arg5[%swap3A_147, %swap3A_148, %swap3A_149] : memref<8x1x2048xf32, #tpu.memory_space<vmem>>, vector<1x1x2048xf32>
    %swap3A_151 = vector.shape_cast %swap3A_150 : vector<1x1x2048xf32> to vector<2048xf32>
    %swap3A_152 = vector.shape_cast %squeeze3A_146 : vector<2048xf32> to vector<1x1x2048xf32>
    tpu.vector_store %arg5[%swap3A_147, %swap3A_148, %swap3A_149], %swap3A_152 {strides = array<i32>} : memref<8x1x2048xf32, #tpu.memory_space<vmem>>, vector<1x1x2048xf32>,
    %get3A_153 = arith.constant 5 : index
    %get3A_154 = memref.load %arg1[%get3A_153] : memref<8xi32, #tpu.memory_space<smem>>
    %lt3A_155 = vector.broadcast %get3A_154 : i32 to vector<1x2048xi32>
    %lt3A_156 = arith.cmpi slt, %iota3A, %lt3A_155 : vector<1x2048xi32>
    %mul3A_157 = arith.constant 1.600000e+01 : f32
    %mul3A_158 = vector.broadcast %mul3A_157 : f32 to vector<1x1xf32>
    %mul3A_159 = arith.mulf %mul3A_158, %get3A_1 : vector<1x1xf32>
    %get3A_160 = arith.constant 5 : index
    %get3A_161 = arith.constant 0 : index
    %get3A_162 = arith.constant 0 : index
    %get3A_163 = vector.load %arg2[%get3A_160, %get3A_161, %get3A_162] : memref<8x1x2048xf32, #tpu.memory_space<vmem>>, vector<1x1x2048xf32>
    %get3A_164 = vector.shape_cast %get3A_163 : vector<1x1x2048xf32> to vector<2048xf32>
    %broadcast_in_dim3A_165 = vector.shape_cast %get3A_164 : vector<2048xf32> to vector<1x2048xf32>
    %sub3A_166 = vector.broadcast %mul3A_159 : vector<1x1xf32> to vector<1x2048xf32>
    %sub3A_167 = arith.subf %sub3A_166, %broadcast_in_dim3A_165 : vector<1x2048xf32>
    %mul3A_168 = vector.broadcast %div3A_6 : vector<1x1xf32> to vector<1x2048xf32>
    %mul3A_169 = arith.mulf %sub3A_167, %mul3A_168 : vector<1x2048xf32>
    %add3A_170 = arith.constant 1.000000e+00 : f32
    %add3A_171 = vector.broadcast %add3A_170 : f32 to vector<1x2048xf32>
    %add3A_172 = arith.addf %add3A_171, %mul3A_169 : vector<1x2048xf32>
    %rsqrt3A_173 = math.rsqrt %add3A_172 : vector<1x2048xf32>
    %jit3A_174 = arith.constant 0.000000e+00 : f32
    %broadcast_in_dim3A_175 = vector.broadcast %jit3A_174 : f32 to vector<1x2048xf32>
    %select_n3A_176 = arith.select %lt3A_156, %rsqrt3A_173, %broadcast_in_dim3A_175 : vector<1x2048xi1>, vector<1x2048xf32>
    %squeeze3A_177 = vector.shape_cast %select_n3A_176 : vector<1x2048xf32> to vector<2048xf32>
    %swap3A_178 = arith.constant 5 : index
    %swap3A_179 = arith.constant 0 : index
    %swap3A_180 = arith.constant 0 : index
    %swap3A_181 = vector.load %arg5[%swap3A_178, %swap3A_179, %swap3A_180] : memref<8x1x2048xf32, #tpu.memory_space<vmem>>, vector<1x1x2048xf32>
    %swap3A_182 = vector.shape_cast %swap3A_181 : vector<1x1x2048xf32> to vector<2048xf32>
    %swap3A_183 = vector.shape_cast %squeeze3A_177 : vector<2048xf32> to vector<1x1x2048xf32>
    tpu.vector_store %arg5[%swap3A_178, %swap3A_179, %swap3A_180], %swap3A_183 {strides = array<i32>} : memref<8x1x2048xf32, #tpu.memory_space<vmem>>, vector<1x1x2048xf32>,
    %get3A_184 = arith.constant 6 : index
    %get3A_185 = memref.load %arg1[%get3A_184] : memref<8xi32, #tpu.memory_space<smem>>
    %lt3A_186 = vector.broadcast %get3A_185 : i32 to vector<1x2048xi32>
    %lt3A_187 = arith.cmpi slt, %iota3A, %lt3A_186 : vector<1x2048xi32>
    %mul3A_188 = arith.constant 1.600000e+01 : f32
    %mul3A_189 = vector.broadcast %mul3A_188 : f32 to vector<1x1xf32>
    %mul3A_190 = arith.mulf %mul3A_189, %get3A_1 : vector<1x1xf32>
    %get3A_191 = arith.constant 6 : index
    %get3A_192 = arith.constant 0 : index
    %get3A_193 = arith.constant 0 : index
    %get3A_194 = vector.load %arg2[%get3A_191, %get3A_192, %get3A_193] : memref<8x1x2048xf32, #tpu.memory_space<vmem>>, vector<1x1x2048xf32>
    %get3A_195 = vector.shape_cast %get3A_194 : vector<1x1x2048xf32> to vector<2048xf32>
    %broadcast_in_dim3A_196 = vector.shape_cast %get3A_195 : vector<2048xf32> to vector<1x2048xf32>
    %sub3A_197 = vector.broadcast %mul3A_190 : vector<1x1xf32> to vector<1x2048xf32>
    %sub3A_198 = arith.subf %sub3A_197, %broadcast_in_dim3A_196 : vector<1x2048xf32>
    %mul3A_199 = vector.broadcast %div3A_6 : vector<1x1xf32> to vector<1x2048xf32>
    %mul3A_200 = arith.mulf %sub3A_198, %mul3A_199 : vector<1x2048xf32>
    %add3A_201 = arith.constant 1.000000e+00 : f32
    %add3A_202 = vector.broadcast %add3A_201 : f32 to vector<1x2048xf32>
    %add3A_203 = arith.addf %add3A_202, %mul3A_200 : vector<1x2048xf32>
    %rsqrt3A_204 = math.rsqrt %add3A_203 : vector<1x2048xf32>
    %jit3A_205 = arith.constant 0.000000e+00 : f32
    %broadcast_in_dim3A_206 = vector.broadcast %jit3A_205 : f32 to vector<1x2048xf32>
    %select_n3A_207 = arith.select %lt3A_187, %rsqrt3A_204, %broadcast_in_dim3A_206 : vector<1x2048xi1>, vector<1x2048xf32>
    %squeeze3A_208 = vector.shape_cast %select_n3A_207 : vector<1x2048xf32> to vector<2048xf32>
    %swap3A_209 = arith.constant 6 : index
    %swap3A_210 = arith.constant 0 : index
    %swap3A_211 = arith.constant 0 : index
    %swap3A_212 = vector.load %arg5[%swap3A_209, %swap3A_210, %swap3A_211] : memref<8x1x2048xf32, #tpu.memory_space<vmem>>, vector<1x1x2048xf32>
    %swap3A_213 = vector.shape_cast %swap3A_212 : vector<1x1x2048xf32> to vector<2048xf32>
    %swap3A_214 = vector.shape_cast %squeeze3A_208 : vector<2048xf32> to vector<1x1x2048xf32>
    tpu.vector_store %arg5[%swap3A_209, %swap3A_210, %swap3A_211], %swap3A_214 {strides = array<i32>} : memref<8x1x2048xf32, #tpu.memory_space<vmem>>, vector<1x1x2048xf32>,
    %get3A_215 = arith.constant 7 : index
    %get3A_216 = memref.load %arg1[%get3A_215] : memref<8xi32, #tpu.memory_space<smem>>
    %lt3A_217 = vector.broadcast %get3A_216 : i32 to vector<1x2048xi32>
    %lt3A_218 = arith.cmpi slt, %iota3A, %lt3A_217 : vector<1x2048xi32>
    %mul3A_219 = arith.constant 1.600000e+01 : f32
    %mul3A_220 = vector.broadcast %mul3A_219 : f32 to vector<1x1xf32>
    %mul3A_221 = arith.mulf %mul3A_220, %get3A_1 : vector<1x1xf32>
    %get3A_222 = arith.constant 7 : index
    %get3A_223 = arith.constant 0 : index
    %get3A_224 = arith.constant 0 : index
    %get3A_225 = vector.load %arg2[%get3A_222, %get3A_223, %get3A_224] : memref<8x1x2048xf32, #tpu.memory_space<vmem>>, vector<1x1x2048xf32>
    %get3A_226 = vector.shape_cast %get3A_225 : vector<1x1x2048xf32> to vector<2048xf32>
    %broadcast_in_dim3A_227 = vector.shape_cast %get3A_226 : vector<2048xf32> to vector<1x2048xf32>
    %sub3A_228 = vector.broadcast %mul3A_221 : vector<1x1xf32> to vector<1x2048xf32>
    %sub3A_229 = arith.subf %sub3A_228, %broadcast_in_dim3A_227 : vector<1x2048xf32>
    %mul3A_230 = vector.broadcast %div3A_6 : vector<1x1xf32> to vector<1x2048xf32>
    %mul3A_231 = arith.mulf %sub3A_229, %mul3A_230 : vector<1x2048xf32>
    %add3A_232 = arith.constant 1.000000e+00 : f32
    %add3A_233 = vector.broadcast %add3A_232 : f32 to vector<1x2048xf32>
    %add3A_234 = arith.addf %add3A_233, %mul3A_231 : vector<1x2048xf32>
    %rsqrt3A_235 = math.rsqrt %add3A_234 : vector<1x2048xf32>
    %jit3A_236 = arith.constant 0.000000e+00 : f32
    %broadcast_in_dim3A_237 = vector.broadcast %jit3A_236 : f32 to vector<1x2048xf32>
    %select_n3A_238 = arith.select %lt3A_218, %rsqrt3A_235, %broadcast_in_dim3A_237 : vector<1x2048xi1>, vector<1x2048xf32>
    %squeeze3A_239 = vector.shape_cast %select_n3A_238 : vector<1x2048xf32> to vector<2048xf32>
    %swap3A_240 = arith.constant 7 : index
    %swap3A_241 = arith.constant 0 : index
    %swap3A_242 = arith.constant 0 : index
    %swap3A_243 = vector.load %arg5[%swap3A_240, %swap3A_241, %swap3A_242] : memref<8x1x2048xf32, #tpu.memory_space<vmem>>, vector<1x1x2048xf32>
    %swap3A_244 = vector.shape_cast %swap3A_243 : vector<1x1x2048xf32> to vector<2048xf32>
    %swap3A_245 = vector.shape_cast %squeeze3A_239 : vector<2048xf32> to vector<1x1x2048xf32>
    tpu.vector_store %arg5[%swap3A_240, %swap3A_241, %swap3A_242], %swap3A_245 {strides = array<i32>} : memref<8x1x2048xf32, #tpu.memory_space<vmem>>, vector<1x1x2048xf32>,
    %iota3A_246 = tpu.iota {dimensions = array<i32: 0>} : vector<8x128xi32>
    %eq3A = arith.constant 0 : i32
    %eq3A_247 = vector.broadcast %eq3A : i32 to vector<8x128xi32>
    %eq3A_248 = arith.cmpi eq, %iota3A_246, %eq3A_247 : vector<8x128xi32>
    %eq3A_249 = arith.constant 1 : i32
    %eq3A_250 = vector.broadcast %eq3A_249 : i32 to vector<8x128xi32>
    %eq3A_251 = arith.cmpi eq, %iota3A_246, %eq3A_250 : vector<8x128xi32>
    %jit3A_252 = arith.constant 0.000000e+00 : f32
    %broadcast_in_dim3A_253 = vector.shape_cast %div3A_6 : vector<1x1xf32> to vector<1x1xf32>
    %broadcast_in_dim3A_254 = vector.broadcast %broadcast_in_dim3A_253 : vector<1x1xf32> to vector<8x128xf32>
    %broadcast_in_dim3A_255 = vector.broadcast %jit3A_252 : f32 to vector<8x128xf32>
    %select_n3A_256 = arith.select %eq3A_251, %broadcast_in_dim3A_254, %broadcast_in_dim3A_255 : vector<8x128xi1>, vector<8x128xf32>
    %broadcast_in_dim3A_257 = vector.shape_cast %get3A_1 : vector<1x1xf32> to vector<1x1xf32>
    %broadcast_in_dim3A_258 = vector.broadcast %broadcast_in_dim3A_257 : vector<1x1xf32> to vector<8x128xf32>
    %select_n3A_259 = arith.select %eq3A_248, %broadcast_in_dim3A_258, %select_n3A_256 : vector<8x128xi1>, vector<8x128xf32>
    %swap3A_260 = arith.constant 0 : index
    %swap3A_261 = arith.constant 0 : index
    %swap3A_262 = vector.load %arg6[%swap3A_260, %swap3A_261] : memref<8x128xf32, #tpu.memory_space<vmem>>, vector<8x128xf32>
    tpu.vector_store %arg6[%swap3A_260, %swap3A_261], %select_n3A_259 {strides = array<i32>} : memref<8x128xf32, #tpu.memory_space<vmem>>, vector<8x128xf32>,
    return
  }
  func.func @transform_0(%arg0: i32, %arg1: memref<8xi32, #tpu.memory_space<smem>>) -> (i32, i32, i32) {
    %c0_i32 = arith.constant 0 : i32
    %c0_i32_0 = arith.constant 0 : i32
    %c0_i32_1 = arith.constant 0 : i32
    %c0_i32_2 = arith.constant 0 : i32
    return %c0_i32, %c0_i32_0, %c0_i32_1 : i32, i32, i32
  }
  func.func @transform_1(%arg0: i32, %arg1: memref<8xi32, #tpu.memory_space<smem>>) -> (i32, i32) {
    %c0_i32 = arith.constant 0 : i32
    %c0_i32_0 = arith.constant 0 : i32
    %c0_i32_1 = arith.constant 0 : i32
    return %c0_i32, %c0_i32_0 : i32, i32
  }
  func.func @transform_2(%arg0: i32, %arg1: memref<8xi32, #tpu.memory_space<smem>>) -> (i32, i32) {
    %c0_i32 = arith.constant 0 : i32
    %c0_i32_0 = arith.constant 0 : i32
    %c0_i32_1 = arith.constant 0 : i32
    return %c0_i32, %c0_i32_0 : i32, i32
  }
  func.func @transform_3(%arg0: i32, %arg1: memref<8xi32, #tpu.memory_space<smem>>) -> (i32, i32, i32) {
    %c0_i32 = arith.constant 0 : i32
    %c0_i32_0 = arith.constant 0 : i32
    %c0_i32_1 = arith.constant 0 : i32
    %c0_i32_2 = arith.constant 0 : i32
    return %c0_i32, %c0_i32_0, %c0_i32_1 : i32, i32, i32
  }
  func.func @transform_4(%arg0: i32, %arg1: memref<8xi32, #tpu.memory_space<smem>>) -> (i32, i32) {
    %c0_i32 = arith.constant 0 : i32
    %c0_i32_0 = arith.constant 0 : i32
    %c0_i32_1 = arith.constant 0 : i32
    return %c0_i32, %c0_i32_0 : i32, i32
  }
}

module attributes {stable_mosaic.version = 14 : i64} {
  func.func @_head_body(%arg0: i32, %arg1: memref<1x256x256xf32, #tpu.memory_space<vmem>>, %arg2: memref<1x17x256xf32, #tpu.memory_space<vmem>>, %arg3: memref<8x128xf32, #tpu.memory_space<vmem>>, %arg4: memref<128x256xf32, #tpu.memory_space<vmem>>, %arg5: memref<1x256xf32, #tpu.memory_space<vmem>>, %arg6: memref<256x256xf32, #tpu.memory_space<vmem>>, %arg7: memref<1x256xf32, #tpu.memory_space<vmem>>, %arg8: memref<1x256xf32, #tpu.memory_space<vmem>>, %arg9: memref<1x1x1xf32, #tpu.memory_space<vmem>>) attributes {dimension_semantics = [#tpu.dimension_semantics<arbitrary>], iteration_bounds = array<i64: 8>, scalar_prefetch = 0 : i64, scratch_operands = 0 : i64, tpu.core_type = #tpu.core_type<tc>, window_params = [{transform_indices = @transform_0, window_bounds = array<i64: 1, 256, 256>}, {transform_indices = @transform_1, window_bounds = array<i64: 1, 17, 256>}, {pipeline_mode = #tpu.pipeline_mode<synchronous>, transform_indices = @transform_2, window_bounds = array<i64: 8, 128>}, {pipeline_mode = #tpu.pipeline_mode<synchronous>, transform_indices = @transform_3, window_bounds = array<i64: 128, 256>}, {pipeline_mode = #tpu.pipeline_mode<synchronous>, transform_indices = @transform_4, window_bounds = array<i64: 1, 256>}, {pipeline_mode = #tpu.pipeline_mode<synchronous>, transform_indices = @transform_5, window_bounds = array<i64: 256, 256>}, {pipeline_mode = #tpu.pipeline_mode<synchronous>, transform_indices = @transform_6, window_bounds = array<i64: 1, 256>}, {pipeline_mode = #tpu.pipeline_mode<synchronous>, transform_indices = @transform_7, window_bounds = array<i64: 1, 256>}, {transform_indices = @transform_8, window_bounds = array<i64: 1, 1, 1>}]} {
    %get3A = arith.constant 0 : index
    %get3A_0 = arith.constant 0 : index
    %get3A_1 = vector.load %arg3[%get3A, %get3A_0] : memref<8x128xf32, #tpu.memory_space<vmem>>, vector<1x1xf32>
    %get3A_2 = arith.constant 1 : index
    %get3A_3 = arith.constant 0 : index
    %get3A_4 = vector.load %arg3[%get3A_2, %get3A_3] : memref<8x128xf32, #tpu.memory_space<vmem>>, vector<1x1xf32>
    %get3A_5 = arith.constant 0 : index
    %get3A_6 = arith.constant 0 : index
    %get3A_7 = arith.constant 0 : index
    %get3A_8 = vector.load %arg1[%get3A_5, %get3A_6, %get3A_7] : memref<1x256x256xf32, #tpu.memory_space<vmem>>, vector<1x256x256xf32>
    %get3A_9 = vector.shape_cast %get3A_8 : vector<1x256x256xf32> to vector<256x256xf32>
    %get3A_10 = arith.constant 0 : index
    %get3A_11 = arith.constant 0 : index
    %get3A_12 = arith.constant 0 : index
    %get3A_13 = vector.load %arg2[%get3A_10, %get3A_11, %get3A_12] : memref<1x17x256xf32, #tpu.memory_space<vmem>>, vector<1x17x256xf32>
    %get3A_14 = vector.shape_cast %get3A_13 : vector<1x17x256xf32> to vector<17x256xf32>
    %iota3A = tpu.iota {dimensions = array<i32: 0>} : vector<256x17xi32>
    %iota3A_15 = tpu.iota {dimensions = array<i32: 1>} : vector<256x17xi32>
    %jit3A = arith.constant 16 : i32
    %div3A = vector.broadcast %jit3A : i32 to vector<256x17xi32>
    %div3A_16 = arith.divsi %iota3A, %div3A : vector<256x17xi32>
    %sign3A = arith.constant 0 : i32
    %sign3A_17 = vector.broadcast %sign3A : i32 to vector<256x17xi32>
    %sign3A_18 = arith.cmpi sgt, %iota3A, %sign3A_17 : vector<256x17xi32>
    %sign3A_19 = arith.extui %sign3A_18 : vector<256x17xi1> to vector<256x17xi32>
    %sign3A_20 = arith.constant 0 : i32
    %sign3A_21 = vector.broadcast %sign3A_20 : i32 to vector<256x17xi32>
    %sign3A_22 = arith.cmpi slt, %iota3A, %sign3A_21 : vector<256x17xi32>
    %sign3A_23 = arith.extui %sign3A_22 : vector<256x17xi1> to vector<256x17xi32>
    %sign3A_24 = arith.subi %sign3A_19, %sign3A_23 : vector<256x17xi32>
    %sign3A_25 = arith.constant 0 : i32
    %sign3A_26 = arith.cmpi sgt, %jit3A, %sign3A_25 : i32
    %sign3A_27 = arith.extui %sign3A_26 : i1 to i32
    %sign3A_28 = arith.constant 0 : i32
    %sign3A_29 = arith.cmpi slt, %jit3A, %sign3A_28 : i32
    %sign3A_30 = arith.extui %sign3A_29 : i1 to i32
    %sign3A_31 = arith.subi %sign3A_27, %sign3A_30 : i32
    %ne3A = vector.broadcast %sign3A_31 : i32 to vector<256x17xi32>
    %ne3A_32 = arith.cmpi ne, %sign3A_24, %ne3A : vector<256x17xi32>
    %rem3A = vector.broadcast %jit3A : i32 to vector<256x17xi32>
    %rem3A_33 = arith.remsi %iota3A, %rem3A : vector<256x17xi32>
    %ne3A_34 = arith.constant 0 : i32
    %ne3A_35 = vector.broadcast %ne3A_34 : i32 to vector<256x17xi32>
    %ne3A_36 = arith.cmpi ne, %rem3A_33, %ne3A_35 : vector<256x17xi32>
    %and3A = arith.andi %ne3A_32, %ne3A_36 : vector<256x17xi1>
    %sub3A = arith.constant 1 : i32
    %sub3A_37 = vector.broadcast %sub3A : i32 to vector<256x17xi32>
    %sub3A_38 = arith.subi %div3A_16, %sub3A_37 : vector<256x17xi32>
    %select_n3A = arith.select %and3A, %sub3A_38, %div3A_16 : vector<256x17xi1>, vector<256x17xi32>
    %eq3A = arith.cmpi eq, %select_n3A, %iota3A_15 : vector<256x17xi32>
    %convert_element_type3A = arith.extui %eq3A : vector<256x17xi1> to vector<256x17xi32>
    %convert_element_type3A_39 = arith.sitofp %convert_element_type3A : vector<256x17xi32> to vector<256x17xf32>
    %slice3A = vector.extract_strided_slice %get3A_14 {offsets = [0, 128], sizes = [17, 16], strides = [1, 1]} : vector<17x256xf32> to vector<17x16xf32>
    %dot_general3A = arith.constant dense<0.000000e+00> : vector<256x16xf32>
    %dot_general3A_40 = tpu.matmul %convert_element_type3A_39, %slice3A, %dot_general3A {dimension_numbers = #tpu.dot_dimension_numbers<[1], [0], [0], [1], [0, 0, 1, 1], [], []>, precision = #tpu.contract_precision<fp32>, transpose_lhs_hint = false} : vector<256x17xf32>, vector<17x16xf32>, vector<256x16xf32> -> vector<256x16xf32>
    %slice3A_41 = vector.extract_strided_slice %get3A_9 {offsets = [0, 136], sizes = [256, 1], strides = [1, 1]} : vector<256x256xf32> to vector<256x1xf32>
    %slice3A_42 = vector.extract_strided_slice %dot_general3A_40 {offsets = [0, 8], sizes = [256, 1], strides = [1, 1]} : vector<256x16xf32> to vector<256x1xf32>
    %sub3A_43 = arith.subf %slice3A_41, %slice3A_42 : vector<256x1xf32>
    %integer_pow3A = arith.mulf %sub3A_43, %sub3A_43 : vector<256x1xf32>
    %slice3A_44 = vector.extract_strided_slice %get3A_9 {offsets = [0, 140], sizes = [256, 1], strides = [1, 1]} : vector<256x256xf32> to vector<256x1xf32>
    %slice3A_45 = vector.extract_strided_slice %dot_general3A_40 {offsets = [0, 12], sizes = [256, 1], strides = [1, 1]} : vector<256x16xf32> to vector<256x1xf32>
    %sub3A_46 = arith.subf %slice3A_44, %slice3A_45 : vector<256x1xf32>
    %integer_pow3A_47 = arith.mulf %sub3A_46, %sub3A_46 : vector<256x1xf32>
    %add3A = arith.addf %integer_pow3A, %integer_pow3A_47 : vector<256x1xf32>
    %sqrt3A = math.sqrt %add3A : vector<256x1xf32>
    %sub3A_48 = vector.broadcast %get3A_1 : vector<1x1xf32> to vector<256x1xf32>
    %sub3A_49 = arith.subf %sub3A_48, %sqrt3A : vector<256x1xf32>
    %mul3A = vector.broadcast %get3A_4 : vector<1x1xf32> to vector<256x1xf32>
    %mul3A_50 = arith.mulf %sub3A_49, %mul3A : vector<256x1xf32>
    %slice3A_51 = vector.extract_strided_slice %dot_general3A_40 {offsets = [0, 0], sizes = [256, 1], strides = [1, 1]} : vector<256x16xf32> to vector<256x1xf32>
    %mul3A_52 = arith.mulf %slice3A_51, %mul3A_50 : vector<256x1xf32>
    %slice3A_53 = vector.extract_strided_slice %get3A_9 {offsets = [0, 128], sizes = [256, 1], strides = [1, 1]} : vector<256x256xf32> to vector<256x1xf32>
    %mul3A_54 = arith.mulf %mul3A_52, %slice3A_53 : vector<256x1xf32>
    %iota3A_55 = tpu.iota {dimensions = array<i32: 0>} : vector<16x256xi32>
    %iota3A_56 = tpu.iota {dimensions = array<i32: 1>} : vector<16x256xi32>
    %jit3A_57 = arith.constant 16 : i32
    %div3A_58 = vector.broadcast %jit3A_57 : i32 to vector<16x256xi32>
    %div3A_59 = arith.divsi %iota3A_56, %div3A_58 : vector<16x256xi32>
    %sign3A_60 = arith.constant 0 : i32
    %sign3A_61 = vector.broadcast %sign3A_60 : i32 to vector<16x256xi32>
    %sign3A_62 = arith.cmpi sgt, %iota3A_56, %sign3A_61 : vector<16x256xi32>
    %sign3A_63 = arith.extui %sign3A_62 : vector<16x256xi1> to vector<16x256xi32>
    %sign3A_64 = arith.constant 0 : i32
    %sign3A_65 = vector.broadcast %sign3A_64 : i32 to vector<16x256xi32>
    %sign3A_66 = arith.cmpi slt, %iota3A_56, %sign3A_65 : vector<16x256xi32>
    %sign3A_67 = arith.extui %sign3A_66 : vector<16x256xi1> to vector<16x256xi32>
    %sign3A_68 = arith.subi %sign3A_63, %sign3A_67 : vector<16x256xi32>
    %sign3A_69 = arith.constant 0 : i32
    %sign3A_70 = arith.cmpi sgt, %jit3A_57, %sign3A_69 : i32
    %sign3A_71 = arith.extui %sign3A_70 : i1 to i32
    %sign3A_72 = arith.constant 0 : i32
    %sign3A_73 = arith.cmpi slt, %jit3A_57, %sign3A_72 : i32
    %sign3A_74 = arith.extui %sign3A_73 : i1 to i32
    %sign3A_75 = arith.subi %sign3A_71, %sign3A_74 : i32
    %ne3A_76 = vector.broadcast %sign3A_75 : i32 to vector<16x256xi32>
    %ne3A_77 = arith.cmpi ne, %sign3A_68, %ne3A_76 : vector<16x256xi32>
    %rem3A_78 = vector.broadcast %jit3A_57 : i32 to vector<16x256xi32>
    %rem3A_79 = arith.remsi %iota3A_56, %rem3A_78 : vector<16x256xi32>
    %ne3A_80 = arith.constant 0 : i32
    %ne3A_81 = vector.broadcast %ne3A_80 : i32 to vector<16x256xi32>
    %ne3A_82 = arith.cmpi ne, %rem3A_79, %ne3A_81 : vector<16x256xi32>
    %and3A_83 = arith.andi %ne3A_77, %ne3A_82 : vector<16x256xi1>
    %sub3A_84 = arith.constant 1 : i32
    %sub3A_85 = vector.broadcast %sub3A_84 : i32 to vector<16x256xi32>
    %sub3A_86 = arith.subi %div3A_59, %sub3A_85 : vector<16x256xi32>
    %select_n3A_87 = arith.select %and3A_83, %sub3A_86, %div3A_59 : vector<16x256xi1>, vector<16x256xi32>
    %eq3A_88 = arith.cmpi eq, %select_n3A_87, %iota3A_55 : vector<16x256xi32>
    %convert_element_type3A_89 = arith.extui %eq3A_88 : vector<16x256xi1> to vector<16x256xi32>
    %convert_element_type3A_90 = arith.sitofp %convert_element_type3A_89 : vector<16x256xi32> to vector<16x256xf32>
    %slice3A_91 = vector.extract_strided_slice %get3A_14 {offsets = [0, 128], sizes = [16, 1], strides = [1, 1]} : vector<17x256xf32> to vector<16x1xf32>
    %slice3A_92 = vector.extract_strided_slice %get3A_14 {offsets = [16, 128], sizes = [1, 1], strides = [1, 1]} : vector<17x256xf32> to vector<1x1xf32>
    %slice3A_93 = vector.extract_strided_slice %get3A_14 {offsets = [0, 136], sizes = [16, 1], strides = [1, 1]} : vector<17x256xf32> to vector<16x1xf32>
    %slice3A_94 = vector.extract_strided_slice %get3A_14 {offsets = [16, 136], sizes = [1, 1], strides = [1, 1]} : vector<17x256xf32> to vector<1x1xf32>
    %sub3A_95 = vector.broadcast %slice3A_94 : vector<1x1xf32> to vector<16x1xf32>
    %sub3A_96 = arith.subf %slice3A_93, %sub3A_95 : vector<16x1xf32>
    %integer_pow3A_97 = arith.mulf %sub3A_96, %sub3A_96 : vector<16x1xf32>
    %slice3A_98 = vector.extract_strided_slice %get3A_14 {offsets = [0, 140], sizes = [16, 1], strides = [1, 1]} : vector<17x256xf32> to vector<16x1xf32>
    %slice3A_99 = vector.extract_strided_slice %get3A_14 {offsets = [16, 140], sizes = [1, 1], strides = [1, 1]} : vector<17x256xf32> to vector<1x1xf32>
    %sub3A_100 = vector.broadcast %slice3A_99 : vector<1x1xf32> to vector<16x1xf32>
    %sub3A_101 = arith.subf %slice3A_98, %sub3A_100 : vector<16x1xf32>
    %integer_pow3A_102 = arith.mulf %sub3A_101, %sub3A_101 : vector<16x1xf32>
    %add3A_103 = arith.addf %integer_pow3A_97, %integer_pow3A_102 : vector<16x1xf32>
    %sqrt3A_104 = math.sqrt %add3A_103 : vector<16x1xf32>
    %sub3A_105 = vector.broadcast %get3A_1 : vector<1x1xf32> to vector<16x1xf32>
    %sub3A_106 = arith.subf %sub3A_105, %sqrt3A_104 : vector<16x1xf32>
    %mul3A_107 = vector.broadcast %slice3A_92 : vector<1x1xf32> to vector<16x1xf32>
    %mul3A_108 = arith.mulf %mul3A_107, %sub3A_106 : vector<16x1xf32>
    %mul3A_109 = vector.broadcast %get3A_4 : vector<1x1xf32> to vector<16x1xf32>
    %mul3A_110 = arith.mulf %mul3A_108, %mul3A_109 : vector<16x1xf32>
    %mul3A_111 = arith.mulf %mul3A_110, %slice3A_91 : vector<16x1xf32>
    %slice3A_112 = vector.extract_strided_slice %get3A_9 {offsets = [0, 0], sizes = [256, 128], strides = [1, 1]} : vector<256x256xf32> to vector<256x128xf32>
    %get3A_113 = arith.constant 0 : index
    %get3A_114 = arith.constant 0 : index
    %get3A_115 = vector.load %arg4[%get3A_113, %get3A_114] : memref<128x256xf32, #tpu.memory_space<vmem>>, vector<128x256xf32>
    %dot_general3A_116 = arith.constant dense<0.000000e+00> : vector<256x256xf32>
    %dot_general3A_117 = tpu.matmul %slice3A_112, %get3A_115, %dot_general3A_116 {dimension_numbers = #tpu.dot_dimension_numbers<[1], [0], [0], [1], [0, 0, 1, 1], [], []>, transpose_lhs_hint = false} : vector<256x128xf32>, vector<128x256xf32>, vector<256x256xf32> -> vector<256x256xf32>
    %slice3A_118 = vector.extract_strided_slice %get3A_14 {offsets = [0, 0], sizes = [17, 128], strides = [1, 1]} : vector<17x256xf32> to vector<17x128xf32>
    %get3A_119 = arith.constant 0 : index
    %get3A_120 = arith.constant 0 : index
    %get3A_121 = vector.load %arg4[%get3A_119, %get3A_120] : memref<128x256xf32, #tpu.memory_space<vmem>>, vector<128x256xf32>
    %dot_general3A_122 = arith.constant dense<0.000000e+00> : vector<17x256xf32>
    %dot_general3A_123 = tpu.matmul %slice3A_118, %get3A_121, %dot_general3A_122 {dimension_numbers = #tpu.dot_dimension_numbers<[1], [0], [0], [1], [0, 0, 1, 1], [], []>, transpose_lhs_hint = false} : vector<17x128xf32>, vector<128x256xf32>, vector<17x256xf32> -> vector<17x256xf32>
    %get3A_124 = arith.constant 0 : index
    %get3A_125 = arith.constant 0 : index
    %get3A_126 = vector.load %arg5[%get3A_124, %get3A_125] : memref<1x256xf32, #tpu.memory_space<vmem>>, vector<1x256xf32>
    %mul3A_127 = arith.mulf %slice3A_91, %slice3A_91 : vector<16x1xf32>
    %slice3A_128 = vector.extract_strided_slice %dot_general3A_123 {offsets = [0, 0], sizes = [16, 256], strides = [1, 1]} : vector<17x256xf32> to vector<16x256xf32>
    %mul3A_129 = vector.broadcast %mul3A_127 : vector<16x1xf32> to vector<16x256xf32>
    %mul3A_130 = arith.mulf %mul3A_129, %slice3A_128 : vector<16x256xf32>
    %add3A_131 = vector.broadcast %get3A_126 : vector<1x256xf32> to vector<16x256xf32>
    %add3A_132 = arith.addf %add3A_131, %mul3A_130 : vector<16x256xf32>
    %mul3A_133 = vector.broadcast %mul3A_54 : vector<256x1xf32> to vector<256x256xf32>
    %mul3A_134 = arith.mulf %mul3A_133, %dot_general3A_117 : vector<256x256xf32>
    %dot_general3A_135 = arith.constant dense<0.000000e+00> : vector<16x256xf32>
    %dot_general3A_136 = tpu.matmul %convert_element_type3A_90, %mul3A_134, %dot_general3A_135 {dimension_numbers = #tpu.dot_dimension_numbers<[1], [0], [0], [1], [0, 0, 1, 1], [], []>, precision = #tpu.contract_precision<fp32>, transpose_lhs_hint = false} : vector<16x256xf32>, vector<256x256xf32>, vector<16x256xf32> -> vector<16x256xf32>
    %add3A_137 = arith.addf %add3A_132, %dot_general3A_136 : vector<16x256xf32>
    %max3A = arith.constant 0.000000e+00 : f32
    %max3A_138 = vector.broadcast %max3A : f32 to vector<16x256xf32>
    %max3A_139 = arith.maximumf %add3A_137, %max3A_138 : vector<16x256xf32>
    %get3A_140 = arith.constant 0 : index
    %get3A_141 = arith.constant 0 : index
    %get3A_142 = vector.load %arg5[%get3A_140, %get3A_141] : memref<1x256xf32, #tpu.memory_space<vmem>>, vector<1x256xf32>
    %mul3A_143 = arith.mulf %slice3A_92, %slice3A_92 : vector<1x1xf32>
    %slice3A_144 = vector.extract_strided_slice %dot_general3A_123 {offsets = [16, 0], sizes = [1, 256], strides = [1, 1]} : vector<17x256xf32> to vector<1x256xf32>
    %mul3A_145 = vector.broadcast %mul3A_143 : vector<1x1xf32> to vector<1x256xf32>
    %mul3A_146 = arith.mulf %mul3A_145, %slice3A_144 : vector<1x256xf32>
    %add3A_147 = arith.addf %get3A_142, %mul3A_146 : vector<1x256xf32>
    %slice3A_148 = vector.extract_strided_slice %dot_general3A_123 {offsets = [0, 0], sizes = [16, 256], strides = [1, 1]} : vector<17x256xf32> to vector<16x256xf32>
    %dot_general3A_149 = arith.constant dense<0.000000e+00> : vector<1x256xf32>
    %dot_general3A_150 = tpu.matmul %mul3A_111, %slice3A_148, %dot_general3A_149 {dimension_numbers = #tpu.dot_dimension_numbers<[0], [0], [1], [1], [0, 1, 1, 1], [], []>, precision = #tpu.contract_precision<fp32>, transpose_lhs_hint = false} : vector<16x1xf32>, vector<16x256xf32>, vector<1x256xf32> -> vector<1x256xf32>
    %add3A_151 = arith.addf %add3A_147, %dot_general3A_150 : vector<1x256xf32>
    %max3A_152 = arith.constant 0.000000e+00 : f32
    %max3A_153 = vector.broadcast %max3A_152 : f32 to vector<1x256xf32>
    %max3A_154 = arith.maximumf %add3A_151, %max3A_153 : vector<1x256xf32>
    %concatenate3A = tpu.concatenate %max3A_154, %max3A_139 in 0 : vector<1x256xf32>, vector<16x256xf32> -> vector<17x256xf32>
    %get3A_155 = arith.constant 0 : index
    %get3A_156 = arith.constant 0 : index
    %get3A_157 = vector.load %arg6[%get3A_155, %get3A_156] : memref<256x256xf32, #tpu.memory_space<vmem>>, vector<256x256xf32>
    %dot_general3A_158 = arith.constant dense<0.000000e+00> : vector<17x256xf32>
    %dot_general3A_159 = tpu.matmul %concatenate3A, %get3A_157, %dot_general3A_158 {dimension_numbers = #tpu.dot_dimension_numbers<[1], [0], [0], [1], [0, 0, 1, 1], [], []>, transpose_lhs_hint = false} : vector<17x256xf32>, vector<256x256xf32>, vector<17x256xf32> -> vector<17x256xf32>
    %get3A_160 = arith.constant 0 : index
    %get3A_161 = arith.constant 0 : index
    %get3A_162 = vector.load %arg7[%get3A_160, %get3A_161] : memref<1x256xf32, #tpu.memory_space<vmem>>, vector<1x256xf32>
    %mul3A_163 = arith.mulf %slice3A_92, %slice3A_92 : vector<1x1xf32>
    %slice3A_164 = vector.extract_strided_slice %dot_general3A_159 {offsets = [0, 0], sizes = [1, 256], strides = [1, 1]} : vector<17x256xf32> to vector<1x256xf32>
    %mul3A_165 = vector.broadcast %mul3A_163 : vector<1x1xf32> to vector<1x256xf32>
    %mul3A_166 = arith.mulf %mul3A_165, %slice3A_164 : vector<1x256xf32>
    %add3A_167 = arith.addf %get3A_162, %mul3A_166 : vector<1x256xf32>
    %slice3A_168 = vector.extract_strided_slice %dot_general3A_159 {offsets = [1, 0], sizes = [16, 256], strides = [1, 1]} : vector<17x256xf32> to vector<16x256xf32>
    %dot_general3A_169 = arith.constant dense<0.000000e+00> : vector<1x256xf32>
    %dot_general3A_170 = tpu.matmul %mul3A_111, %slice3A_168, %dot_general3A_169 {dimension_numbers = #tpu.dot_dimension_numbers<[0], [0], [1], [1], [0, 1, 1, 1], [], []>, precision = #tpu.contract_precision<fp32>, transpose_lhs_hint = false} : vector<16x1xf32>, vector<16x256xf32>, vector<1x256xf32> -> vector<1x256xf32>
    %add3A_171 = arith.addf %add3A_167, %dot_general3A_170 : vector<1x256xf32>
    %max3A_172 = arith.constant 0.000000e+00 : f32
    %max3A_173 = vector.broadcast %max3A_172 : f32 to vector<1x256xf32>
    %max3A_174 = arith.maximumf %add3A_171, %max3A_173 : vector<1x256xf32>
    %get3A_175 = arith.constant 0 : index
    %get3A_176 = arith.constant 0 : index
    %get3A_177 = vector.load %arg8[%get3A_175, %get3A_176] : memref<1x256xf32, #tpu.memory_space<vmem>>, vector<1x256xf32>
    %dot_general3A_178 = arith.constant dense<0.000000e+00> : vector<1x1xf32>
    %dot_general3A_179 = tpu.matmul %max3A_174, %get3A_177, %dot_general3A_178 {dimension_numbers = #tpu.dot_dimension_numbers<[1], [1], [0], [0], [0, 0, 1, 0], [], []>, transpose_lhs_hint = false} : vector<1x256xf32>, vector<1x256xf32>, vector<1x1xf32> -> vector<1x1xf32>
    %reshape3A = vector.shape_cast %dot_general3A_179 : vector<1x1xf32> to vector<1x1x1xf32>
    %swap3A = arith.constant 0 : index
    %swap3A_180 = arith.constant 0 : index
    %swap3A_181 = arith.constant 0 : index
    %swap3A_182 = vector.load %arg9[%swap3A, %swap3A_180, %swap3A_181] : memref<1x1x1xf32, #tpu.memory_space<vmem>>, vector<1x1x1xf32>
    tpu.vector_store %arg9[%swap3A, %swap3A_180, %swap3A_181], %reshape3A {strides = array<i32>} : memref<1x1x1xf32, #tpu.memory_space<vmem>>, vector<1x1x1xf32>,
    return
  }
  func.func @transform_0(%arg0: i32) -> (i32, i32, i32) {
    %c0_i32 = arith.constant 0 : i32
    %c0_i32_0 = arith.constant 0 : i32
    %c0_i32_1 = arith.constant 0 : i32
    return %arg0, %c0_i32, %c0_i32_0 : i32, i32, i32
  }
  func.func @transform_1(%arg0: i32) -> (i32, i32, i32) {
    %c0_i32 = arith.constant 0 : i32
    %c0_i32_0 = arith.constant 0 : i32
    %c0_i32_1 = arith.constant 0 : i32
    return %arg0, %c0_i32, %c0_i32_0 : i32, i32, i32
  }
  func.func @transform_2(%arg0: i32) -> (i32, i32) {
    %c0_i32 = arith.constant 0 : i32
    %c0_i32_0 = arith.constant 0 : i32
    %c0_i32_1 = arith.constant 0 : i32
    return %c0_i32, %c0_i32_0 : i32, i32
  }
  func.func @transform_3(%arg0: i32) -> (i32, i32) {
    %c0_i32 = arith.constant 0 : i32
    %c0_i32_0 = arith.constant 0 : i32
    %c0_i32_1 = arith.constant 0 : i32
    return %c0_i32, %c0_i32_0 : i32, i32
  }
  func.func @transform_4(%arg0: i32) -> (i32, i32) {
    %c0_i32 = arith.constant 0 : i32
    %c0_i32_0 = arith.constant 0 : i32
    %c0_i32_1 = arith.constant 0 : i32
    return %c0_i32, %c0_i32_0 : i32, i32
  }
  func.func @transform_5(%arg0: i32) -> (i32, i32) {
    %c0_i32 = arith.constant 0 : i32
    %c0_i32_0 = arith.constant 0 : i32
    %c0_i32_1 = arith.constant 0 : i32
    return %c0_i32, %c0_i32_0 : i32, i32
  }
  func.func @transform_6(%arg0: i32) -> (i32, i32) {
    %c0_i32 = arith.constant 0 : i32
    %c0_i32_0 = arith.constant 0 : i32
    %c0_i32_1 = arith.constant 0 : i32
    return %c0_i32, %c0_i32_0 : i32, i32
  }
  func.func @transform_7(%arg0: i32) -> (i32, i32) {
    %c0_i32 = arith.constant 0 : i32
    %c0_i32_0 = arith.constant 0 : i32
    %c0_i32_1 = arith.constant 0 : i32
    return %c0_i32, %c0_i32_0 : i32, i32
  }
  func.func @transform_8(%arg0: i32) -> (i32, i32, i32) {
    %c0_i32 = arith.constant 0 : i32
    %c0_i32_0 = arith.constant 0 : i32
    %c0_i32_1 = arith.constant 0 : i32
    return %arg0, %c0_i32, %c0_i32_0 : i32, i32, i32
  }
}

</mosaic_0001>

<sc_bundles>
// kernel: kernel.7.cloned.1.call-start
scs
__scs_entry_jumppad:
0x0: {  	(pc) =	sbr.rel $0x88, $3  }
0x1: {  	(tag) =	ssettag $0x0;
	lr =	simm.s32 $0x1  }
0x2: {  	[smem:$0x3F97] =	sst lr;
	_ =	strace $0xD0000000  }
0x3: {  	_ = 	snop  }
0x4: {  	_ = 	snop  }
0x5: {  	_ = 	snop  }
0x6: {  	_ = 	snop  }
0x7: {  	_ = 	snop  }
__scs_overlays_trampoline_lowered:
0x8: {  	[smem:$0x3FA6] =	sst s0  }
0x9: {  	[smem:$0x3FA7] =	sst s1  }
0xa: {  	[smem:$0x3FA8] =	sst s2  }
0xb: {  	[smem:$0x3FA9] =	sst s3  }
0xc: {  	[smem:$0x3FAA] =	sst s4  }
0xd: {  	[smem:$0x3FAB] =	sst s5  }
0xe: {  	[smem:$0x3FAC] =	sst s6  }
0xf: {  	[smem:$0x3FAD] =	sst s7  }
0x10: {  	[smem:$0x3FAE] =	sst s8  }
0x11: {  	[smem:$0x3FAF] =	sst s9;
	s0 =	simm.s32 @!p0 $0x0  }
0x12: {  	s1 =	sld [smem:$0x3F95];
	s0 =	simm.s32 @p0 $0x1  }
0x13: {  	[smem:$0x3FB0] =	sst s0;
	s0 =	simm.s32 @!p1 $0x0  }
0x14: {  	s2 =	sld [smem:$0x3F94];
	s0 =	simm.s32 @p1 $0x1  }
0x15: {  	[smem:$0x3FB1] =	sst s0;
	s0 =	simm.s32 @!p2 $0x0  }
0x16: {  	s3 =	sld [smem:$0x3FDB];
	s0 =	simm.s32 @p2 $0x1  }
0x17: {  	s4 =	simm.s32 $0x1BF5;
	[smem:$0x3FB3] =	sst s0  }
0x18: {  	s0 =	sld [smem:$0x3F96];
	_ =	swait.ge [sflag:s4], $0x0  }
0x19: {  	s7 =	sld [smem:$0x3F97]  }
0x1a: {  	s8 =	sadd.s32 $0xFFFFE003, lr  }
0x1b: {  	s9 =	sadd.s32 $0xFFFFFEF7, lr;
	s5 =	simm.s32 $0xFFFFFFFF;
	p2 =	slt.u32 s8, $0xFFFFF086  }
0x1c: {  	p1 =	slt.u32 s9, $0xF7A;
	s5 =	simm.s32 @!p2 $0x0  }
0x1d: {  	s5 =	simm.s32 @p1 $0x1;
	p0 =	seq.s32 s7, s2  }
0x1e: {  	s7 =	smul.u32 @!p0 $0xF7A, s2;
	p2 =	seq.s32 @!p0 s5, $0x0  }
0x1f: {  	s9 =	smul.u32 $0xF7A, s1;
	s8 =	simm.s32 @!p0 $0x1BF5;
	p2 =	por !p2, p0  }
0x20: {  	[sflag:s8] =	ssyncset.s32 @!p0 $0xFFFFF086;
	s6 =	sadd.s32 @!p0 s3, s7;
	s7 =	simm.s32 @!p0 $0x108  }
0x21: {  	s3 =	sadd.s32 s3, s9;
	s6 =	sadd.s32 @!p0 $0x88, s6;
	s7 =	simm.s32 @p2 $0x1082  }
0x22: {  	[simem:s7], [sflag:s8] =	dma.local @!p0 [hbm:s6], $0xF7A  }
0x23: {  	s9 =	sor.u32 $0xD0000000, s2;
	s6 =	simm.s32 $0x108;
	_ =	swait.ge @!p0 [sflag:s8], $0x0  }
0x24: {  	s3 =	sadd.s32 $0x88, s3;
	s6 =	simm.s32 @!p1 $0x1082;
	[sflag:s4] =	ssyncset.s32 $0xFFFFF086  }
0x25: {  	[simem:s6], [sflag:s4] =	dma.local [hbm:s3], $0xF7A  }
0x26: {  	[smem:$0x3F97] =	sst s1;
	(tag) =	ssettag s2;
	_ =	strace s9  }
0x27: {  	s1 =	sld [smem:$0x3FA7]  }
0x28: {  	s2 =	sld [smem:$0x3FA8]  }
0x29: {  	s4 =	sld [smem:$0x3FAA]  }
0x2a: {  	p0 =	seq.s32 s5, $0x0;
	s5 =	sld [smem:$0x3FAB]  }
0x2b: {  	s6 =	sld [smem:$0x3FAC]  }
0x2c: {  	s7 =	sld [smem:$0x3FAD]  }
0x2d: {  	s3 =	simm.s32 $0x108;
	s8 =	sld [smem:$0x3FAE]  }
0x2e: {  	s3 =	simm.s32 @!p0 $0x1082;
	s9 =	sld [smem:$0x3FAF]  }
0x2f: {  	lr =	sadd.s32 s0, s3;
	s0 =	sld [smem:$0x3FA6]  }
0x30: {  	s3 =	sld [smem:$0x3FA9]  }
0x31: {  	[smem:$0x3FB2] =	sst s10  }
0x32: {  	s10 =	sld [smem:$0x3FB0];
	_ =	sdelay $0x3  }
0x33: {  	p0 =	seq.s32 s10, $0x1;
	s10 =	sld [smem:$0x3FB2];
	_ =	sdelay $0x3  }
0x34: {  	[smem:$0x3FB2] =	sst s10  }
0x35: {  	s10 =	sld [smem:$0x3FB1];
	_ =	sdelay $0x3  }
0x36: {  	p1 =	seq.s32 s10, $0x1;
	s10 =	sld [smem:$0x3FB2];
	_ =	sdelay $0x3  }
0x37: {  	[smem:$0x3FB2] =	sst s10  }
0x38: {  	s10 =	sld [smem:$0x3FB3]  }
0x39: {  	_ = 	snop;
	(pc) =	sbr.ind lr, $3  }
0x3a: {  	_ = 	snop  }
0x3b: {  	_ = 	snop  }
0x3c: {  	p2 =	seq.s32 s10, $0x1;
	s10 =	sld [smem:$0x3FB2]  }
0x3d: {  	_ =	shalt  }
0x3e: {  	_ =	shalt  }
0x3f: {  	_ =	shalt  }
0x40: {  	_ =	shalt  }
0x41: {  	_ =	shalt  }
0x42: {  	_ =	shalt  }
0x43: {  	_ =	shalt  }
0x44: {  	_ =	shalt  }
0x45: {  	_ =	shalt  }
0x46: {  	_ =	shalt  }
0x47: {  	_ =	shalt  }
0x48: {  	_ =	shalt  }
0x49: {  	_ =	shalt  }
0x4a: {  	_ =	shalt  }
0x4b: {  	_ =	shalt  }
0x4c: {  	_ =	shalt  }
0x4d: {  	_ =	shalt  }
0x4e: {  	_ =	shalt  }
0x4f: {  	_ =	shalt  }
0x50: {  	_ =	shalt  }
0x51: {  	_ =	shalt  }
0x52: {  	_ =	shalt  }
0x53: {  	_ =	shalt  }
0x54: {  	_ =	shalt  }
0x55: {  	_ =	shalt  }
0x56: {  	_ =	shalt  }
0x57: {  	_ =	shalt  }
0x58: {  	_ =	shalt  }
0x59: {  	_ =	shalt  }
0x5a: {  	_ =	shalt  }
0x5b: {  	_ =	shalt  }
0x5c: {  	_ =	shalt  }
0x5d: {  	_ =	shalt  }
0x5e: {  	_ =	shalt  }
0x5f: {  	_ =	shalt  }
0x60: {  	_ =	shalt  }
0x61: {  	_ =	shalt  }
0x62: {  	_ =	shalt  }
0x63: {  	_ =	shalt  }
0x64: {  	_ =	shalt  }
0x65: {  	_ =	shalt  }
0x66: {  	_ =	shalt  }
0x67: {  	_ =	shalt  }
0x68: {  	_ =	shalt  }
0x69: {  	_ =	shalt  }
0x6a: {  	_ =	shalt  }
0x6b: {  	_ =	shalt  }
0x6c: {  	_ =	shalt  }
0x6d: {  	_ =	shalt  }
0x6e: {  	_ =	shalt  }
0x6f: {  	_ =	shalt  }
0x70: {  	_ =	shalt  }
0x71: {  	_ =	shalt  }
0x72: {  	_ =	shalt  }
0x73: {  	_ =	shalt  }
0x74: {  	_ =	shalt  }
0x75: {  	_ =	shalt  }
0x76: {  	_ =	shalt  }
0x77: {  	_ =	shalt  }
0x78: {  	_ =	shalt  }
0x79: {  	_ =	shalt  }
0x7a: {  	_ =	shalt  }
0x7b: {  	_ =	shalt  }
0x7c: {  	_ =	shalt  }
0x7d: {  	_ =	shalt  }
0x7e: {  	_ =	shalt  }
0x7f: {  	_ =	shalt  }
0x80: {  	_ =	shalt  }
0x81: {  	_ =	shalt  }
0x82: {  	_ =	shalt  }
0x83: {  	_ =	shalt  }
0x84: {  	_ =	shalt  }
0x85: {  	_ =	shalt  }
0x86: {  	_ =	shalt  }
0x87: {  	_ =	shalt  }
.Lfunc_end0:
.L_simem_size_0:
called_computation_lowered:
.L_overlay_start_0:
0x88: {  	s2 =	sld [smem:$0x3FD9]  }
0x89: {  	s3 =	sld [smem:$0x3FFE];
	_ =	sdelay $0x1  }
0x8a: {  	s1 =	srdreg.scid  }
0x8b: {  	s0 =	sand.u32 $0x1, s1  }
0x8c: {  	s16 =	sshll.u32 s0, $0xA;
	s2 =	sadd.s32 s3, s2  }
0x8d: {  	s2 =	sadd.s32 s2, s16  }
0x8e: {  	[smem:$0x3FBE] =	sst s2  }
0x8f: {  	_ = 	snop  }
0x90: {  	(tm) =	ssettm $0x1  }
0x91: {  	s17 =	sld [smem:$0x3FFB];
	_ =	sdelay $0x3  }
0x92: {  	_ =	strace s17  }
0x93: {  	s2 =	sld [smem:$0x3FFC];
	_ =	sdelay $0x3  }
0x94: {  	_ =	strace s2  }
0x95: {  	s2 =	sld [smem:$0x3FFD];
	_ =	sdelay $0x3  }
0x96: {  	_ =	strace s2  }
0x97: {  	_ =	strace $0x8FFFFFFF  }
0x98: {  	s18 =	sld [smem:$0x3FDB];
	_ =	sdelay $0x1  }
0x99: {  	s19 =	simm.s32 $_scs_section_size  }
0x9a: {  	s4 =	simm.s32 $_size__tile_overlayer_lowered;
	s5 =	simm.s32 $_tile_overlayer_lowered  }
0x9b: {  	s22 =	simm.s32 $0x1BFF;
	s21 =	sshll.u32 s5, $0x1;
	s2 =	sadd.s32 s19, s18  }
0x9c: {  	s6 =	simm.s32 $0x0;
	s20 =	sshll.u32 s4, $0x1;
	s4 =	sadd.s32 s21, s2  }
0x9d: {  	[timem:s6], [sflag:s22] =	dma.local [hbm:s4], s20  }
0x9e: {  	_ =	swait.ge [sflag:s22], s20  }
0x9f: {  	s3 =	ssub.s32 $0x0, s20;
	[sflag:s22] =	ssyncset.done $0x0  }
0xa0: {  	[sflag:s22] =	ssyncadd.s32 s3;
	_ =	sdelay $0x1  }
0xa1: {  	s23 =	simm.s32 $0x1B8B  }
0xa2: {  	_ =	swait.ge [sflag:s23], $0x1  }
0xa3: {  	[sflag:s23] =	ssyncset.done $0x0  }
0xa4: {  	s25 =	simm.s32 $0x1B8E;
	s24 =	sld [smem:$0x3FFE];
	[sflag:s23] =	ssyncadd.s32 $0xFFFFFFFF  }
0xa5: {  	s26 =	simm.s32 $execute0_lowered;
	[smem:$0x3FD2] =	sst s25  }
0xa6: {  	s4 =	sshll.u32 s26, $0x1;
	_ =	strace $0x80000046;
	[dreg:$0x1] =	wrdreg $0xFFFFFFFF  }
0xa7: {  	s28 =	simm.s32 $_size_execute0_lowered;
	s2 =	sadd.s32 s2, s4;
	[dreg:$0x0] =	wrdreg $0x0  }
0xa8: {  	s4 =	sshll.u32 s28, $0x1;
	[dreg:$0x2] =	wrdreg s2  }
0xa9: {  	[dreg:$0x3] =	wrdreg s4  }
0xaa: {  	[dreg:$0x4] =	wrdreg $0xC0  }
0xab: {  	_ =	task [dreg:s6], $0x5FFFF  }
0xac: {  	[dreg:$0x1] =	wrdreg $0xFFFFFFFF  }
0xad: {  	[dreg:$0x0] =	wrdreg $0x60  }
0xae: {  	[dreg:$0x2] =	wrdreg s24  }
0xaf: {  	[dreg:$0x3] =	wrdreg $0x9  }
0xb0: {  	_ =	task.clear_ibuf [dreg:s6], $0x4FFFF;
	_ =	strace $0x90000046  }
0xb1: {  	s29 =	simm.s32 $0x9;
	_ =	strace $0x80000048  }
0xb2: {  	_ =	swait.ge [sflag:s29], $0x1  }
0xb3: {  	[sflag:s29] =	ssyncadd.s32 $0xFFFFFFFF  }
0xb4: {  	_ =	strace $0x90000048  }
0xb5: {  	_ =	sfence  }
0xb6: {  	s30 =	sld [smem:$0x0];
	_ =	sdelay $0x2  }
0xb7: {  	s31 =	sshll.u32 s1, $0xD;
	s1 =	sshrl.u32 s1, $0x2  }
0xb8: {  	s3 =	sand.u32 $0x4000, s31;
	s1 =	sadd.s32 s1, s30  }
0xb9: {  	s0 =	sor.u32 s3, s0;
	s1 =	sshll.u32 s1, $0x11  }
0xba: {  	s0 =	sor.u32 s1, s0  }
0xbb: {  	s0 =	sadd.s32 $0x8F2B, s0  }
0xbc: {  	[sflag:s0] =	ssyncadd.remote.s32 $0x1  }
0xbd: {  	_ =	sfence.sel $0xFFFF  }
0xbe: {  	[dreg:$0x0] =	wrdreg $0xFFFFFFFF;
	(pc) =	sbr.abs _section_cstart, $3  }
0xbf: {  	[dreg:$0x1] =	wrdreg $0xFFFFFFFF  }
0xc0: {  	_ =	task.clear_ibuf [dreg:s6], $0x2FFFF;
	_ =	strace $0x9FFFFFFF  }
0xc1: {  	(tm) =	ssettm $0x7FFFFFFF  }
tec
execute0_lowered:
.L_overlay_start_1:
0x0: {  	(tag) =	ssettag $0x1  }
0x1: {  	s4 =	rddreg [dreg:$0x0]  }
0x2: {  	s0 =	rddreg [dreg:$0x1]  }
0x3: {  	s2 =	simm.s32 $0x0;
	s1 =	stileid.u32;
	s3 =	srdreg.scid  }
0x4: {  	s16 =	simm.s32 $0x2100;
	s17 =	simm.s32 $0x2900;
	s18 =	simm.s32 $0x3100  }
0x5: {  	s19 =	simm.s32 $0x3900;
	[smem:$0x7FF] =	sst s2;
	s5 =	sshll.u32 s1, $0x1  }
0x6: {  	s6 =	sshrl.u32 s1, $0x1;
	s7 =	sand.u32 $0x1, s3;
	s3 =	sadd.s32 $0x41E00, s4  }
0x7: {  	s14 =	sshll.u32 s1, $0x7;
	_ =	strace $0x80000047;
	s5 =	sand.u32 $0x2, s5  }
0x8: {  	s8 =	sshll.u32 s6, $0x4;
	s29 =	sshll.u32 s7, $0x3;
	s9 =	sshll.u32 s6, $0x10  }
0x9: {  	s13 =	smul.u32 $0x300, s6;
	s14 =	sand.u32 $0x80, s14;
	s15 =	sshll.u32 s6, $0xB  }
0xa: {  	s10 =	sor.u32 s7, s5;
	s12 =	sadd.s32 s8, s4;
	s5 =	sadd.s32 s29, s4  }
0xb: {  	s7 =	ssub.s32 $0x2, s7;
	v0 =	vmov s15;
	s15 =	simm.s32 $0x1900;
	s11 =	sshll.u32 s10, $0xE  }
0xc: {  	s13 =	sadd.s32 s13, s4;
	s30 =	sshrl.u32 s7, $0x1;
	s5 =	sadd.s32 s14, s5  }
0xd: {  	p0 =	sne.s32 s10, $0x0;
	s10 =	simm.s32 $0x1;
	s14 =	simm.s32 $0x1100  }
0xe: {  	s11 =	sor.u32 s9, s11;
	s31 =	ssub.s32 s7, s30;
	s5 =	sadd.s32 s8, s5  }
0xf: {  	s7 =	sadd.s32 s3, s9;
	s8 =	sadd.s32 $0x11E00, s13;
	s13 =	simm.s32 $0x900  }
0x10: {  	v3 =	vlaneseq.u32;
	s11 =	sshrl.u32 s11, $0x3;
	s5 =	sadd.s32 $0x1C00, s5;
	s9 =	smax.u32 s31, $0x1  }
0x11: {  	vm0 =	vmmov $0xffff;
	v2 =	vshrl.u32 v3, $0x3;
	v1 =	vand.u32 $0x7, v3;
	s20 =	sadd.s32 @!p0 $0x80, s7;
	s11 =	sadd.s32 s11, s4;
	s4 =	sadd.s32 $0x1A00, s12  }
0x12: {  	v3 =	vor.u32 $0x8, v3;
	v2 =	vmul.u32 $0x8, v2;
	vm1 =	vmmov @!p0 $0xffff;
	s12 =	simm.s32 $0x100;
	s6 =	sadd.s32 $0x1E00, s11;
	s11 =	simm.s32 $0x80  }
.LBB2_1:
0x13: {  	[tilespmem:s2], [sflag:$0x1] =	stream.linear.gather [hbm4b:s4+s2], $0x80, $0x38;
	[tilespmem:$0x5900] =	vst v63  }
0x14: {  	_ =	swait.ge [sflag:s10], $0x80  }
0x15: {  	[sflag:s10] =	ssyncset.done $0x0  }
0x16: {  	[sflag:s10] =	ssyncadd.s32 $0xFFFFFF80  }
0x17: {  	[tilespmem:s11], [sflag:$0x1] =	stream.linear.gather [hbm4b:s5+s2], $0x40, $0x38;
	[tilespmem:$0x5900] =	vst v63  }
0x18: {  	_ =	swait.ge [sflag:s10], $0x40  }
0x19: {  	[sflag:s10] =	ssyncset.done $0x0  }
0x1a: {  	[sflag:s10] =	ssyncadd.s32 $0xFFFFFFC0  }
0x1b: {  	v4 =	vld [tilespmem:$0x80];
	_ =	sdelay $0x4  }
0x1c: {  	v5 =	vadd.s32 v0, v4  }
0x1d: {  	v5 =	vshll.u32 v5, $0x1  }
0x1e: {  	v4 =	vand.u32 $0x7, v4;
	v5 =	vand.u32 $0xFFFFFFF0, v5  }
0x1f: {  	v4 =	vor.u32 v4, v5  }
0x20: {  	v5 =	vperm.xlane v4, v1;
	_ =	sdelay $0x1  }
0x21: {  	v4 =	vperm.xlane v4, v3;
	v5 =	vadd.s32 v2, v5;
	_ =	sdelay $0x1  }
0x22: {  	v4 =	vadd.s32 v2, v4;
	_ =	sdelay $0x2  }
0x23: {  	[tilespmem:s12], [sflag:$0x1] =	stream.indirect_vreg.gather [hbm4b:s3+s2], $0x80, v5, vm0, $0xb8;
	[tilespmem:$0x5900] =	vst v63  }
0x24: {  	_ = 	snop  }
0x25: {  	[tilespmem:s13], [sflag:$0x1] =	stream.indirect_vreg.gather [hbm4b:s3+s2], $0x80, v4, vm0, $0xb8;
	[tilespmem:$0x5900] =	vst v63  }
0x26: {  	_ =	swait.ge [sflag:s10], $0x1000  }
0x27: {  	[sflag:s10] =	ssyncset.done $0x0  }
0x28: {  	[sflag:s10] =	ssyncadd.s32 $0xFFFFF000  }
0x29: {  	v4 =	vld [tilespmem:$0x90];
	_ =	sdelay $0x4  }
0x2a: {  	v5 =	vadd.s32 v0, v4  }
0x2b: {  	v5 =	vshll.u32 v5, $0x1  }
0x2c: {  	v4 =	vand.u32 $0x7, v4;
	v5 =	vand.u32 $0xFFFFFFF0, v5  }
0x2d: {  	v4 =	vor.u32 v4, v5  }
0x2e: {  	v5 =	vperm.xlane v4, v1;
	_ =	sdelay $0x1  }
0x2f: {  	v4 =	vperm.xlane v4, v3;
	v5 =	vadd.s32 v2, v5;
	_ =	sdelay $0x1  }
0x30: {  	v4 =	vadd.s32 v2, v4;
	_ =	sdelay $0x2  }
0x31: {  	[tilespmem:s14], [sflag:$0x1] =	stream.indirect_vreg.gather [hbm4b:s3+s2], $0x80, v5, vm0, $0xb8;
	[tilespmem:$0x5900] =	vst v63  }
0x32: {  	_ = 	snop  }
0x33: {  	[tilespmem:s15], [sflag:$0x1] =	stream.indirect_vreg.gather [hbm4b:s3+s2], $0x80, v4, vm0, $0xb8;
	[tilespmem:$0x5900] =	vst v63  }
0x34: {  	_ =	swait.ge [sflag:s10], $0x1000  }
0x35: {  	[sflag:s10] =	ssyncset.done $0x0  }
0x36: {  	[sflag:s10] =	ssyncadd.s32 $0xFFFFF000  }
0x37: {  	v4 =	vld [tilespmem:$0xA0];
	_ =	sdelay $0x4  }
0x38: {  	v5 =	vadd.s32 v0, v4  }
0x39: {  	v5 =	vshll.u32 v5, $0x1  }
0x3a: {  	v4 =	vand.u32 $0x7, v4;
	v5 =	vand.u32 $0xFFFFFFF0, v5  }
0x3b: {  	v4 =	vor.u32 v4, v5  }
0x3c: {  	v5 =	vperm.xlane v4, v1;
	_ =	sdelay $0x1  }
0x3d: {  	v4 =	vperm.xlane v4, v3;
	v5 =	vadd.s32 v2, v5;
	_ =	sdelay $0x1  }
0x3e: {  	v4 =	vadd.s32 v2, v4;
	_ =	sdelay $0x2  }
0x3f: {  	[tilespmem:s16], [sflag:$0x1] =	stream.indirect_vreg.gather [hbm4b:s3+s2], $0x80, v5, vm0, $0xb8;
	[tilespmem:$0x5900] =	vst v63  }
0x40: {  	_ = 	snop  }
0x41: {  	[tilespmem:s17], [sflag:$0x1] =	stream.indirect_vreg.gather [hbm4b:s3+s2], $0x80, v4, vm0, $0xb8;
	[tilespmem:$0x5900] =	vst v63  }
0x42: {  	_ =	swait.ge [sflag:s10], $0x1000  }
0x43: {  	[sflag:s10] =	ssyncset.done $0x0  }
0x44: {  	[sflag:s10] =	ssyncadd.s32 $0xFFFFF000  }
0x45: {  	v4 =	vld [tilespmem:$0xB0];
	_ =	sdelay $0x4  }
0x46: {  	v5 =	vadd.s32 v0, v4  }
0x47: {  	v5 =	vshll.u32 v5, $0x1  }
0x48: {  	v4 =	vand.u32 $0x7, v4;
	v5 =	vand.u32 $0xFFFFFFF0, v5  }
0x49: {  	v4 =	vor.u32 v4, v5  }
0x4a: {  	v5 =	vperm.xlane v4, v1;
	_ =	sdelay $0x1  }
0x4b: {  	v4 =	vperm.xlane v4, v3;
	v5 =	vadd.s32 v2, v5;
	_ =	sdelay $0x1  }
0x4c: {  	v4 =	vadd.s32 v2, v4;
	_ =	sdelay $0x2  }
0x4d: {  	[tilespmem:s18], [sflag:$0x1] =	stream.indirect_vreg.gather [hbm4b:s3+s2], $0x80, v5, vm0, $0xb8;
	[tilespmem:$0x5900] =	vst v63  }
0x4e: {  	_ = 	snop  }
0x4f: {  	[tilespmem:s19], [sflag:$0x1] =	stream.indirect_vreg.gather [hbm4b:s3+s2], $0x80, v4, vm0, $0xb8;
	[tilespmem:$0x5900] =	vst v63  }
0x50: {  	_ =	swait.ge [sflag:s10], $0x1000  }
0x51: {  	[sflag:s10] =	ssyncset.done $0x0  }
0x52: {  	[sflag:s10] =	ssyncadd.s32 $0xFFFFF000  }
0x53: {  	[hbm4b:s6+s2] =	stream.linear.scatter [tilespmem:s12], [sflag:$0x1], $0x4000, $0x38;
	[tilespmem:$0x5900] =	vst v63  }
0x54: {  	_ =	swait.ge [sflag:s10], $0x4000  }
0x55: {  	[sflag:s10] =	ssyncset.done $0x0  }
0x56: {  	[sflag:s10] =	ssyncadd.s32 $0xFFFFC000  }
0x57: {  	v4 =	vld @!p0 [tilespmem:$0x0];
	_ =	sdelay $0x4  }
0x58: {  	v5 =	vadd.s32 @!p0 v0, v4  }
0x59: {  	v5 =	vshll.u32 @!p0 v5, $0x1  }
0x5a: {  	v6 =	vlaneseq.u32 @!p0;
	v4 =	vand.u32 @!p0 $0x7, v4;
	v5 =	vand.u32 @!p0 $0xFFFFFFF0, v5  }
0x5b: {  	v7 =	vshrl.u32 @!p0 v6, $0x3;
	v4 =	vor.u32 @!p0 v4, v5;
	v5 =	vand.u32 @!p0 $0x7, v6  }
0x5c: {  	v7 =	vmul.u32 @!p0 $0x8, v7;
	v5 =	vperm.xlane @!p0 v4, v5  }
0x5d: {  	v6 =	vor.u32 @!p0 $0x8, v6  }
0x5e: {  	v4 =	vperm.xlane @!p0 v4, v6;
	v5 =	vadd.s32 @!p0 v7, v5;
	_ =	sdelay $0x1  }
0x5f: {  	v4 =	vadd.s32 @!p0 v7, v4;
	_ =	sdelay $0x1  }
0x60: {  	s21 =	simm.s32 @!p0 $0x0;
	s22 =	simm.s32 @!p0 $0x4100  }
0x61: {  	[tilespmem:s22], [sflag:$0x1] =	stream.indirect_vreg.gather @!p0 [hbm4b:s3+s21], $0x80, v5, vm1, $0xb8;
	[tilespmem:$0x5900] =	vst v63  }
0x62: {  	s23 =	simm.s32 @!p0 $0x4900  }
0x63: {  	[tilespmem:s23], [sflag:$0x1] =	stream.indirect_vreg.gather @!p0 [hbm4b:s3+s21], $0x80, v4, vm1, $0xb8;
	[tilespmem:$0x5900] =	vst v63  }
0x64: {  	s23 =	simm.s32 @!p0 $0x1  }
0x65: {  	_ =	swait.ge @!p0 [sflag:s23], $0x1000  }
0x66: {  	s24 =	simm.s32 @!p0 $0x800;
	[sflag:s23] =	ssyncset.done @!p0 $0x0  }
0x67: {  	s25 =	simm.s32 @!p0 $0x400;
	s26 =	simm.s32 @!p0 $0x5100;
	[sflag:s23] =	ssyncadd.s32 @!p0 $0xFFFFF000  }
0x68: {  	[tilespmem:s26], [sflag:$0x1] =	stream.strided.gather @!p0 [hbm4b:s7+s24], $0x0, s25, s24, $0x38;
	[tilespmem:$0x5900] =	vst v63  }
0x69: {  	_ = 	snop  }
0x6a: {  	[tilespmem:s26], [sflag:$0x1] =	stream.linear.gather @!p0 [hbm4b:s7+s21], $0x80, $0x38;
	[tilespmem:$0x5900] =	vst v63  }
0x6b: {  	s24 =	simm.s32 @!p0 $0x5500  }
0x6c: {  	[tilespmem:s24], [sflag:$0x1] =	stream.linear.gather @!p0 [hbm4b:s20+s21], $0x80, $0x38;
	[tilespmem:$0x5900] =	vst v63  }
0x6d: {  	s9 =	sadd.s32 $0xFFFFFFFF, s9;
	_ =	swait.ge @!p0 [sflag:s23], $0x100  }
0x6e: {  	p1 =	sne.s32 s9, $0x0;
	[sflag:s23] =	ssyncset.done @!p0 $0x0  }
.Ltmp0:
0x6f: {  	[sflag:s23] =	ssyncadd.s32 @!p0 $0xFFFFFF00;
	(pc) =	sbr.rel @p1 .LBB2_1-.Ltmp0, $4  }
0x70: {  	[hbm4b:s8+s21] =	stream.linear.scatter @!p0 [tilespmem:s22], [sflag:$0x1], $0x1800, $0x38;
	[tilespmem:$0x5900] =	vst v63  }
0x71: {  	_ =	swait.ge @!p0 [sflag:s23], $0x1800  }
0x72: {  	[sflag:s23] =	ssyncset.done @!p0 $0x0  }
0x73: {  	[sflag:s23] =	ssyncadd.s32 @!p0 $0xFFFFE800  }
0x74: {  	_ =	sfence.sel $0x180000  }
0x75: {  	[bflag:$0x0] =	sbarrier.arrive $0xFFFF  }
0x76: {  	p0 =	sne.s32 s1, $0x0;
	_ =	strace $0x90000047  }
0x77: {  	s0 =	sadd.s32 @!p0 $0x100000, s0;
	[bflag:$0x2] =	sbarrier.arrive $0xFFFF  }
0x78: {  	[sflag:s0] =	ssyncadd.tile.s32 @!p0 $0x1;
	_ =	shalt  }
.Lfunc_end2:
_tile_overlayer_lowered:
.L_overlay_start_2:
0x79: {  	(tag) =	ssettag $0x2  }
0x7a: {  	s0 =	rddreg [dreg:$0x0];
	s2 =	stileid.u32  }
0x7b: {  	s1 =	rddreg [dreg:$0x1];
	p0 =	sne.s32 s2, $0x0  }
0x7c: {  	s3 =	rddreg [dreg:$0x2];
	[bflag:$0x3] =	sbarrier.arrive $0xFFFF;
	s2 =	simm.s32 @!p0 $0x1C01  }
0x7d: {  	[timem:s3], [sflag:s2] =	dma.local @!p0 [hbm:s0], s1  }
0x7e: {  	s0 =	simm.s32 @!p0 $0x1  }
0x7f: {  	_ =	swait.ge @!p0 [sflag:s0], s1  }
0x80: {  	s1 =	ssub.s32 @!p0 $0x0, s1;
	[sflag:s0] =	ssyncset.done @!p0 $0x0  }
0x81: {  	[sflag:s0] =	ssyncadd.s32 @!p0 s1  }
0x82: {  	[bflag:$0x3] =	sbarrier.arrive $0xFFFF  }
0x83: {  	_ =	shalt  }

</sc_bundles>
